<compile_context>
chip_gen: v7x
topology: tpu7x:2x2x1
jax: 0.10.2.dev20260603
libtpu: 0.0.44.dev20260713+nightly
codegen_flags: <defaults>
</compile_context>

<pallas_src>
import functools

import jax
import jax.numpy as jnp
from jax import lax
from jax.experimental import pallas as pl
from jax.experimental.pallas import tpu as pltpu
from jax.experimental.pallas import tpu_sc as plsc

NC = 2
NS = 16
NW = NC * NS
L = 16

NM, NU = 20000, 5000
NM_PAD, NU_PAD = 20480, 5120
CM, CU = NM_PAD // NW, NU_PAD // NW
VM, VU = CM // L, CU // L
GRP = 2 * CM + 2 * CU
GRP_PAD = 1664
RUN = 2 * GRP_PAD

_F = jnp.float32
_I = jnp.int32


def _build():
  mesh = plsc.VectorSubcoreMesh(
      core_axis_name="c", subcore_axis_name="s",
      num_cores=NC, num_subcores=NS)

  @functools.partial(
      pl.kernel,
      out_type=jax.ShapeDtypeStruct((NW, L), _F),
      mesh=mesh,
      scratch_types=[pltpu.VMEM((RUN,), _I),
                     pltpu.VMEM((GRP_PAD,), _F), pltpu.VMEM((GRP_PAD,), _F),
                     pltpu.VMEM((L,), _F), pltpu.SemaphoreType.DMA],
  )
  def run(pred_hbm, tgt_hbm, civ_hbm, out_hbm, civ, vp, vt, acc_v, sem):
    wid = lax.axis_index("s") * NC + lax.axis_index("c")
    lanes = lax.iota(_I, L)

    pltpu.async_copy(civ_hbm.at[pl.ds(wid * RUN, RUN)], civ, sem).wait()
    gps = []
    for tab, vv, goff in ((pred_hbm, vp, 0), (tgt_hbm, vt, GRP_PAD)):
      for off, sz in ((0, CM), (CM, CM), (2 * CM, 2 * CU)):
        gps.append(pltpu.async_copy(
            tab.at[civ.at[pl.ds(goff + off, sz)]], vv.at[pl.ds(off, sz)], sem))
    for g in gps:
      g.wait()

    def term(va, oa, vb, ob, nvec, ch, n_real):
      base = wid * ch
      def body(j, acc):
        o = j * L
        d = va[pl.ds(oa + o, L)] - vb[pl.ds(ob + o, L)]
        pos = base + o + lanes
        return acc + jnp.where(pos < n_real, d * d, jnp.zeros_like(d))
      return lax.fori_loop(0, nvec, body, jnp.zeros((L,), _F), unroll=4)

    t_b = term(vp, 0, vt, 0, VM, CM, NM)
    t_d = term(vp, CM, vt, CM, VM, CM, NM)
    t_up = term(vp, 2 * CM, vp, 2 * CM + CU, VU, CU, NU)
    t_ut = term(vt, 2 * CM, vt, 2 * CM + CU, VU, CU, NU)
    acc_v[...] = 2.0 * (t_b + t_d) + (t_up + t_ut)
    pltpu.sync_copy(acc_v, out_hbm.at[wid])

  return run


_run = _build()


def _lin(c, npad):
  i = c[:, 0] * 16384 + c[:, 1] * 128 + c[:, 2]
  return jnp.pad(i, (0, npad - i.shape[0])).reshape(NW, npad // NW)


def kernel(pred_field, tgt_field,
           matched_pred_birth, matched_pred_death,
           matched_tgt_birth, matched_tgt_death,
           unmatched_pred_birth, unmatched_pred_death,
           unmatched_tgt_birth, unmatched_tgt_death):
  z = jnp.zeros((NW, GRP_PAD - GRP), _I)
  civ = jnp.concatenate([
      _lin(matched_pred_birth, NM_PAD), _lin(matched_pred_death, NM_PAD),
      _lin(unmatched_pred_birth, NU_PAD), _lin(unmatched_pred_death, NU_PAD), z,
      _lin(matched_tgt_birth, NM_PAD), _lin(matched_tgt_death, NM_PAD),
      _lin(unmatched_tgt_birth, NU_PAD), _lin(unmatched_tgt_death, NU_PAD), z,
  ], axis=1).reshape(-1)
  out = _run(pred_field.reshape(-1), tgt_field.reshape(-1), civ)
  return jnp.sum(out).reshape(1)

# --- scband reference (transcript-rebuilt; emitter-appended) ---
"""Pipeline reference for scband-betti-matching-loss-75307956568298 (READ-ONLY COPY).

The authoritative reference and input builder live on the scoring server;
editing this copy changes nothing except your own understanding.
"""

import jax, jax.numpy as jnp
import numpy as np


def _vals(t, coords):
    # gather values at integer voxel coordinates (N, 3)
    return t[coords[:, 0], coords[:, 1], coords[:, 2]]


def setup_inputs(seed: int = 0) -> dict:
    key = jax.random.key(seed)
    ks = jax.random.split(key, 12)
    shp = (128, 128, 128)
    Nm, Nu = 20000, 5000

    def coords(k, n):
        return jax.random.randint(k, (n, 3), 0, 128, dtype=jnp.int32)

    return {
        "pred_field": jax.random.uniform(ks[0], shp, dtype=jnp.float32),
        "tgt_field": jax.random.uniform(ks[1], shp, dtype=jnp.float32),
        "matched_pred_birth": coords(ks[2], Nm),
        "matched_pred_death": coords(ks[3], Nm),
        "matched_tgt_birth": coords(ks[4], Nm),
        "matched_tgt_death": coords(ks[5], Nm),
        "unmatched_pred_birth": coords(ks[6], Nu),
        "unmatched_pred_death": coords(ks[7], Nu),
        "unmatched_tgt_birth": coords(ks[8], Nu),
        "unmatched_tgt_death": coords(ks[9], Nu),
    }


def reference(pred_field, tgt_field,
              matched_pred_birth, matched_pred_death,
              matched_tgt_birth, matched_tgt_death,
              unmatched_pred_birth, unmatched_pred_death,
              unmatched_tgt_birth, unmatched_tgt_death):
    # matched loss: 2 * sum((pred_pairs - tgt_pairs)^2) over (birth, death) pairs
    pb = _vals(pred_field, matched_pred_birth)
    pd = _vals(pred_field, matched_pred_death)
    tb = _vals(tgt_field, matched_tgt_birth)
    td = _vals(tgt_field, matched_tgt_death)
    loss_matched = 2.0 * ((pb - tb) ** 2 + (pd - td) ** 2).sum()

    # unmatched prediction pairs pushed to diagonal: sum((birth - death)^2)
    ub = _vals(pred_field, unmatched_pred_birth)
    ud = _vals(pred_field, unmatched_pred_death)
    loss_unmatched_pred = ((ub - ud) ** 2).sum()

    # unmatched target pairs (include_unmatched_target=True), pushed to diagonal
    tub = _vals(tgt_field, unmatched_tgt_birth)
    tud = _vals(tgt_field, unmatched_tgt_death)
    loss_unmatched_tgt = ((tub - tud) ** 2).sum()

    total = loss_matched + loss_unmatched_pred + loss_unmatched_tgt
    return total.reshape(1)

if __name__ == "__main__":
    import jax
    _d = setup_inputs()
    print(jax.jit(kernel)(*tuple(_d.values())))

</pallas_src>

<mosaic_0001>
#map = affine_map<(d0, d1) -> (0)>
#map1 = affine_map<(d0, d1) -> (0, 0)>
module attributes {stable_mosaic.version = 14 : i64} {
  func.func @run(%arg0: i32, %arg1: i32, %arg2: memref<2097152xf32, #tpu.memory_space<hbm>>, %arg3: memref<2097152xf32, #tpu.memory_space<hbm>>, %arg4: memref<106496xi32, #tpu.memory_space<hbm>>, %arg5: memref<32x16xf32, #tpu.memory_space<hbm>>, %arg6: memref<3328xi32, #tpu.memory_space<vmem>>, %arg7: memref<1664xf32, #tpu.memory_space<vmem>>, %arg8: memref<1664xf32, #tpu.memory_space<vmem>>, %arg9: memref<16xf32, #tpu.memory_space<vmem>>, %arg10: memref<!tpu.dma_semaphore, #tpu.memory_space<semaphore_mem>>) attributes {dimension_semantics = [#tpu.dimension_semantics<core_parallel>, #tpu.dimension_semantics<subcore_parallel>], iteration_bounds = array<i64: 2, 16>, scalar_prefetch = 0 : i64, scratch_operands = 5 : i64, tpu.core_type = #tpu.core_type<sc_vector_subcore>, window_params = [{transform_indices = #map}, {transform_indices = #map}, {transform_indices = #map}, {transform_indices = #map1}]} {
    %mul3A = arith.constant 2 : i32
    %mul3A_0 = arith.muli %arg1, %mul3A : i32
    %add3A = arith.addi %mul3A_0, %arg0 : i32
    %iota3A = tpu.iota {dimensions = array<i32: 0>} : vector<16xi32>
    %mul3A_1 = arith.constant 3328 : i32
    %mul3A_2 = arith.muli %add3A, %mul3A_1 : i32
    %dma_start3A = tpu.memref_slice %arg4[%mul3A_2] : memref<106496xi32, #tpu.memory_space<hbm>> -> memref<3328xi32, #tpu.memory_space<hbm>>
    %dma_start3A_3 = tpu.memref_slice %arg4[%mul3A_2] : memref<106496xi32, #tpu.memory_space<hbm>> -> memref<3328xi32, #tpu.memory_space<hbm>>
    tpu.enqueue_dma source(%dma_start3A_3 : memref<3328xi32, #tpu.memory_space<hbm>>) target(%arg6 : memref<3328xi32, #tpu.memory_space<vmem>>) target_semaphore(%arg10 : memref<!tpu.dma_semaphore, #tpu.memory_space<semaphore_mem>>)
    %dma_wait3A = tpu.memref_slice %arg4[%mul3A_2] : memref<106496xi32, #tpu.memory_space<hbm>> -> memref<3328xi32, #tpu.memory_space<hbm>>
    %dma_wait3A_4 = tpu.memref_slice %arg4[%mul3A_2] : memref<106496xi32, #tpu.memory_space<hbm>> -> memref<3328xi32, #tpu.memory_space<hbm>>
    tpu.wait_dma2 semaphore(%arg10 : memref<!tpu.dma_semaphore, #tpu.memory_space<semaphore_mem>>) src(%dma_wait3A_4 : memref<3328xi32, #tpu.memory_space<hbm>>) dst(%arg6 : memref<3328xi32, #tpu.memory_space<vmem>>)
    %dma_start3A_5 = arith.constant 0 : i32
    %dma_start3A_6 = tpu.memref_slice %arg7[%dma_start3A_5] : memref<1664xf32, #tpu.memory_space<vmem>> -> memref<640xf32, #tpu.memory_space<vmem>>
    %dma_start3A_7 = arith.constant 0 : i32
    %dma_start3A_8 = tpu.memref_slice %arg6[%dma_start3A_7] : memref<3328xi32, #tpu.memory_space<vmem>> -> memref<640xi32, #tpu.memory_space<vmem>>
    %dma_start3A_9 = arith.constant 0 : i32
    %dma_start3A_10 = tpu.memref_slice %arg2[%dma_start3A_9] : memref<2097152xf32, #tpu.memory_space<hbm>> -> memref<2097152xf32, #tpu.memory_space<hbm>>
    tpu.enqueue_indirect_dma source(%dma_start3A_10 : memref<2097152xf32, #tpu.memory_space<hbm>>) target(%dma_start3A_6 : memref<640xf32, #tpu.memory_space<vmem>>) offsets(%dma_start3A_8 : memref<640xi32, #tpu.memory_space<vmem>>) semaphore(%arg10 : memref<!tpu.dma_semaphore, #tpu.memory_space<semaphore_mem>>)
    %dma_start3A_11 = arith.constant 640 : i32
    %dma_start3A_12 = tpu.memref_slice %arg7[%dma_start3A_11] : memref<1664xf32, #tpu.memory_space<vmem>> -> memref<640xf32, #tpu.memory_space<vmem>>
    %dma_start3A_13 = arith.constant 640 : i32
    %dma_start3A_14 = tpu.memref_slice %arg6[%dma_start3A_13] : memref<3328xi32, #tpu.memory_space<vmem>> -> memref<640xi32, #tpu.memory_space<vmem>>
    %dma_start3A_15 = arith.constant 0 : i32
    %dma_start3A_16 = tpu.memref_slice %arg2[%dma_start3A_15] : memref<2097152xf32, #tpu.memory_space<hbm>> -> memref<2097152xf32, #tpu.memory_space<hbm>>
    tpu.enqueue_indirect_dma source(%dma_start3A_16 : memref<2097152xf32, #tpu.memory_space<hbm>>) target(%dma_start3A_12 : memref<640xf32, #tpu.memory_space<vmem>>) offsets(%dma_start3A_14 : memref<640xi32, #tpu.memory_space<vmem>>) semaphore(%arg10 : memref<!tpu.dma_semaphore, #tpu.memory_space<semaphore_mem>>)
    %dma_start3A_17 = arith.constant 1280 : i32
    %dma_start3A_18 = tpu.memref_slice %arg7[%dma_start3A_17] : memref<1664xf32, #tpu.memory_space<vmem>> -> memref<320xf32, #tpu.memory_space<vmem>>
    %dma_start3A_19 = arith.constant 1280 : i32
    %dma_start3A_20 = tpu.memref_slice %arg6[%dma_start3A_19] : memref<3328xi32, #tpu.memory_space<vmem>> -> memref<320xi32, #tpu.memory_space<vmem>>
    %dma_start3A_21 = arith.constant 0 : i32
    %dma_start3A_22 = tpu.memref_slice %arg2[%dma_start3A_21] : memref<2097152xf32, #tpu.memory_space<hbm>> -> memref<2097152xf32, #tpu.memory_space<hbm>>
    tpu.enqueue_indirect_dma source(%dma_start3A_22 : memref<2097152xf32, #tpu.memory_space<hbm>>) target(%dma_start3A_18 : memref<320xf32, #tpu.memory_space<vmem>>) offsets(%dma_start3A_20 : memref<320xi32, #tpu.memory_space<vmem>>) semaphore(%arg10 : memref<!tpu.dma_semaphore, #tpu.memory_space<semaphore_mem>>)
    %dma_start3A_23 = arith.constant 0 : i32
    %dma_start3A_24 = tpu.memref_slice %arg8[%dma_start3A_23] : memref<1664xf32, #tpu.memory_space<vmem>> -> memref<640xf32, #tpu.memory_space<vmem>>
    %dma_start3A_25 = arith.constant 1664 : i32
    %dma_start3A_26 = tpu.memref_slice %arg6[%dma_start3A_25] : memref<3328xi32, #tpu.memory_space<vmem>> -> memref<640xi32, #tpu.memory_space<vmem>>
    %dma_start3A_27 = arith.constant 0 : i32
    %dma_start3A_28 = tpu.memref_slice %arg3[%dma_start3A_27] : memref<2097152xf32, #tpu.memory_space<hbm>> -> memref<2097152xf32, #tpu.memory_space<hbm>>
    tpu.enqueue_indirect_dma source(%dma_start3A_28 : memref<2097152xf32, #tpu.memory_space<hbm>>) target(%dma_start3A_24 : memref<640xf32, #tpu.memory_space<vmem>>) offsets(%dma_start3A_26 : memref<640xi32, #tpu.memory_space<vmem>>) semaphore(%arg10 : memref<!tpu.dma_semaphore, #tpu.memory_space<semaphore_mem>>)
    %dma_start3A_29 = arith.constant 640 : i32
    %dma_start3A_30 = tpu.memref_slice %arg8[%dma_start3A_29] : memref<1664xf32, #tpu.memory_space<vmem>> -> memref<640xf32, #tpu.memory_space<vmem>>
    %dma_start3A_31 = arith.constant 2304 : i32
    %dma_start3A_32 = tpu.memref_slice %arg6[%dma_start3A_31] : memref<3328xi32, #tpu.memory_space<vmem>> -> memref<640xi32, #tpu.memory_space<vmem>>
    %dma_start3A_33 = arith.constant 0 : i32
    %dma_start3A_34 = tpu.memref_slice %arg3[%dma_start3A_33] : memref<2097152xf32, #tpu.memory_space<hbm>> -> memref<2097152xf32, #tpu.memory_space<hbm>>
    tpu.enqueue_indirect_dma source(%dma_start3A_34 : memref<2097152xf32, #tpu.memory_space<hbm>>) target(%dma_start3A_30 : memref<640xf32, #tpu.memory_space<vmem>>) offsets(%dma_start3A_32 : memref<640xi32, #tpu.memory_space<vmem>>) semaphore(%arg10 : memref<!tpu.dma_semaphore, #tpu.memory_space<semaphore_mem>>)
    %dma_start3A_35 = arith.constant 1280 : i32
    %dma_start3A_36 = tpu.memref_slice %arg8[%dma_start3A_35] : memref<1664xf32, #tpu.memory_space<vmem>> -> memref<320xf32, #tpu.memory_space<vmem>>
    %dma_start3A_37 = arith.constant 2944 : i32
    %dma_start3A_38 = tpu.memref_slice %arg6[%dma_start3A_37] : memref<3328xi32, #tpu.memory_space<vmem>> -> memref<320xi32, #tpu.memory_space<vmem>>
    %dma_start3A_39 = arith.constant 0 : i32
    %dma_start3A_40 = tpu.memref_slice %arg3[%dma_start3A_39] : memref<2097152xf32, #tpu.memory_space<hbm>> -> memref<2097152xf32, #tpu.memory_space<hbm>>
    tpu.enqueue_indirect_dma source(%dma_start3A_40 : memref<2097152xf32, #tpu.memory_space<hbm>>) target(%dma_start3A_36 : memref<320xf32, #tpu.memory_space<vmem>>) offsets(%dma_start3A_38 : memref<320xi32, #tpu.memory_space<vmem>>) semaphore(%arg10 : memref<!tpu.dma_semaphore, #tpu.memory_space<semaphore_mem>>)
    %dma_wait3A_41 = arith.constant 0 : i32
    %dma_wait3A_42 = tpu.memref_slice %arg7[%dma_wait3A_41] : memref<1664xf32, #tpu.memory_space<vmem>> -> memref<640xf32, #tpu.memory_space<vmem>>
    %dma_wait3A_43 = arith.constant 0 : i32
    %dma_wait3A_44 = tpu.memref_slice %arg6[%dma_wait3A_43] : memref<3328xi32, #tpu.memory_space<vmem>> -> memref<640xi32, #tpu.memory_space<vmem>>
    %dma_wait3A_45 = arith.constant 0 : i32
    %dma_wait3A_46 = tpu.memref_slice %arg2[%dma_wait3A_45] : memref<2097152xf32, #tpu.memory_space<hbm>> -> memref<2097152xf32, #tpu.memory_space<hbm>>
    tpu.wait_indirect_dma semaphore(%arg10 : memref<!tpu.dma_semaphore, #tpu.memory_space<semaphore_mem>>) src(%dma_wait3A_46 : memref<2097152xf32, #tpu.memory_space<hbm>>) dst(%dma_wait3A_42 : memref<640xf32, #tpu.memory_space<vmem>>)
    %dma_wait3A_47 = arith.constant 640 : i32
    %dma_wait3A_48 = tpu.memref_slice %arg7[%dma_wait3A_47] : memref<1664xf32, #tpu.memory_space<vmem>> -> memref<640xf32, #tpu.memory_space<vmem>>
    %dma_wait3A_49 = arith.constant 640 : i32
    %dma_wait3A_50 = tpu.memref_slice %arg6[%dma_wait3A_49] : memref<3328xi32, #tpu.memory_space<vmem>> -> memref<640xi32, #tpu.memory_space<vmem>>
    %dma_wait3A_51 = arith.constant 0 : i32
    %dma_wait3A_52 = tpu.memref_slice %arg2[%dma_wait3A_51] : memref<2097152xf32, #tpu.memory_space<hbm>> -> memref<2097152xf32, #tpu.memory_space<hbm>>
    tpu.wait_indirect_dma semaphore(%arg10 : memref<!tpu.dma_semaphore, #tpu.memory_space<semaphore_mem>>) src(%dma_wait3A_52 : memref<2097152xf32, #tpu.memory_space<hbm>>) dst(%dma_wait3A_48 : memref<640xf32, #tpu.memory_space<vmem>>)
    %dma_wait3A_53 = arith.constant 1280 : i32
    %dma_wait3A_54 = tpu.memref_slice %arg7[%dma_wait3A_53] : memref<1664xf32, #tpu.memory_space<vmem>> -> memref<320xf32, #tpu.memory_space<vmem>>
    %dma_wait3A_55 = arith.constant 1280 : i32
    %dma_wait3A_56 = tpu.memref_slice %arg6[%dma_wait3A_55] : memref<3328xi32, #tpu.memory_space<vmem>> -> memref<320xi32, #tpu.memory_space<vmem>>
    %dma_wait3A_57 = arith.constant 0 : i32
    %dma_wait3A_58 = tpu.memref_slice %arg2[%dma_wait3A_57] : memref<2097152xf32, #tpu.memory_space<hbm>> -> memref<2097152xf32, #tpu.memory_space<hbm>>
    tpu.wait_indirect_dma semaphore(%arg10 : memref<!tpu.dma_semaphore, #tpu.memory_space<semaphore_mem>>) src(%dma_wait3A_58 : memref<2097152xf32, #tpu.memory_space<hbm>>) dst(%dma_wait3A_54 : memref<320xf32, #tpu.memory_space<vmem>>)
    %dma_wait3A_59 = arith.constant 0 : i32
    %dma_wait3A_60 = tpu.memref_slice %arg8[%dma_wait3A_59] : memref<1664xf32, #tpu.memory_space<vmem>> -> memref<640xf32, #tpu.memory_space<vmem>>
    %dma_wait3A_61 = arith.constant 1664 : i32
    %dma_wait3A_62 = tpu.memref_slice %arg6[%dma_wait3A_61] : memref<3328xi32, #tpu.memory_space<vmem>> -> memref<640xi32, #tpu.memory_space<vmem>>
    %dma_wait3A_63 = arith.constant 0 : i32
    %dma_wait3A_64 = tpu.memref_slice %arg3[%dma_wait3A_63] : memref<2097152xf32, #tpu.memory_space<hbm>> -> memref<2097152xf32, #tpu.memory_space<hbm>>
    tpu.wait_indirect_dma semaphore(%arg10 : memref<!tpu.dma_semaphore, #tpu.memory_space<semaphore_mem>>) src(%dma_wait3A_64 : memref<2097152xf32, #tpu.memory_space<hbm>>) dst(%dma_wait3A_60 : memref<640xf32, #tpu.memory_space<vmem>>)
    %dma_wait3A_65 = arith.constant 640 : i32
    %dma_wait3A_66 = tpu.memref_slice %arg8[%dma_wait3A_65] : memref<1664xf32, #tpu.memory_space<vmem>> -> memref<640xf32, #tpu.memory_space<vmem>>
    %dma_wait3A_67 = arith.constant 2304 : i32
    %dma_wait3A_68 = tpu.memref_slice %arg6[%dma_wait3A_67] : memref<3328xi32, #tpu.memory_space<vmem>> -> memref<640xi32, #tpu.memory_space<vmem>>
    %dma_wait3A_69 = arith.constant 0 : i32
    %dma_wait3A_70 = tpu.memref_slice %arg3[%dma_wait3A_69] : memref<2097152xf32, #tpu.memory_space<hbm>> -> memref<2097152xf32, #tpu.memory_space<hbm>>
    tpu.wait_indirect_dma semaphore(%arg10 : memref<!tpu.dma_semaphore, #tpu.memory_space<semaphore_mem>>) src(%dma_wait3A_70 : memref<2097152xf32, #tpu.memory_space<hbm>>) dst(%dma_wait3A_66 : memref<640xf32, #tpu.memory_space<vmem>>)
    %dma_wait3A_71 = arith.constant 1280 : i32
    %dma_wait3A_72 = tpu.memref_slice %arg8[%dma_wait3A_71] : memref<1664xf32, #tpu.memory_space<vmem>> -> memref<320xf32, #tpu.memory_space<vmem>>
    %dma_wait3A_73 = arith.constant 2944 : i32
    %dma_wait3A_74 = tpu.memref_slice %arg6[%dma_wait3A_73] : memref<3328xi32, #tpu.memory_space<vmem>> -> memref<320xi32, #tpu.memory_space<vmem>>
    %dma_wait3A_75 = arith.constant 0 : i32
    %dma_wait3A_76 = tpu.memref_slice %arg3[%dma_wait3A_75] : memref<2097152xf32, #tpu.memory_space<hbm>> -> memref<2097152xf32, #tpu.memory_space<hbm>>
    tpu.wait_indirect_dma semaphore(%arg10 : memref<!tpu.dma_semaphore, #tpu.memory_space<semaphore_mem>>) src(%dma_wait3A_76 : memref<2097152xf32, #tpu.memory_space<hbm>>) dst(%dma_wait3A_72 : memref<320xf32, #tpu.memory_space<vmem>>)
    %mul3A_77 = arith.constant 640 : i32
    %mul3A_78 = arith.muli %add3A, %mul3A_77 : i32
    %broadcast_in_dim3A = arith.constant 0.000000e+00 : f32
    %broadcast_in_dim3A_79 = vector.broadcast %broadcast_in_dim3A : f32 to vector<16xf32>
    %scan3A = arith.constant 0 : i32
    %scan3A_80 = arith.constant 40 : i32
    %scan3A_81 = arith.addi %scan3A, %scan3A_80 : i32
    %scan3A_82 = arith.constant 4 : i32
    %scan3A_83 = scf.for %scan3A_224 = %scan3A to %scan3A_81 step %scan3A_82 iter_args(%scan3A_225 = %broadcast_in_dim3A_79) -> (vector<16xf32>)  : i32 {
      %mul3A_226 = arith.constant 16 : i32
      %mul3A_227 = arith.muli %scan3A_224, %mul3A_226 : i32
      %add3A_228 = arith.constant 0 : i32
      %add3A_229 = arith.addi %add3A_228, %mul3A_227 : i32
      %get3A_230 = arith.index_cast %add3A_229 : i32 to index
      %get3A_231 = tpu.vector_load %arg7[%get3A_230] {strides = array<i32>} : memref<1664xf32, #tpu.memory_space<vmem>>, vector<16xf32>,
      %get3A_232 = vector.shape_cast %get3A_231 : vector<16xf32> to vector<16xf32>
      %add3A_233 = arith.constant 0 : i32
      %add3A_234 = arith.addi %add3A_233, %mul3A_227 : i32
      %get3A_235 = arith.index_cast %add3A_234 : i32 to index
      %get3A_236 = tpu.vector_load %arg8[%get3A_235] {strides = array<i32>} : memref<1664xf32, #tpu.memory_space<vmem>>, vector<16xf32>,
      %get3A_237 = vector.shape_cast %get3A_236 : vector<16xf32> to vector<16xf32>
      %sub3A_238 = arith.subf %get3A_232, %get3A_237 : vector<16xf32>
      %add3A_239 = arith.addi %mul3A_78, %mul3A_227 : i32
      %add3A_240 = vector.broadcast %add3A_239 : i32 to vector<16xi32>
      %add3A_241 = arith.addi %add3A_240, %iota3A : vector<16xi32>
      %lt3A_242 = arith.constant 20000 : i32
      %lt3A_243 = vector.broadcast %lt3A_242 : i32 to vector<16xi32>
      %lt3A_244 = arith.cmpi slt, %add3A_241, %lt3A_243 : vector<16xi32>
      %mul3A_245 = arith.mulf %sub3A_238, %sub3A_238 : vector<16xf32>
      %broadcast_in_dim3A_246 = arith.constant 0.000000e+00 : f32
      %broadcast_in_dim3A_247 = vector.broadcast %broadcast_in_dim3A_246 : f32 to vector<16xf32>
      %select_n3A_248 = arith.select %lt3A_244, %mul3A_245, %broadcast_in_dim3A_247 : vector<16xi1>, vector<16xf32>
      %add3A_249 = arith.addf %scan3A_225, %select_n3A_248 : vector<16xf32>
      %scan3A_250 = arith.constant 1 : i32
      %scan3A_251 = arith.addi %scan3A_224, %scan3A_250 : i32
      %mul3A_252 = arith.constant 16 : i32
      %mul3A_253 = arith.muli %scan3A_251, %mul3A_252 : i32
      %add3A_254 = arith.constant 0 : i32
      %add3A_255 = arith.addi %add3A_254, %mul3A_253 : i32
      %get3A_256 = arith.index_cast %add3A_255 : i32 to index
      %get3A_257 = tpu.vector_load %arg7[%get3A_256] {strides = array<i32>} : memref<1664xf32, #tpu.memory_space<vmem>>, vector<16xf32>,
      %get3A_258 = vector.shape_cast %get3A_257 : vector<16xf32> to vector<16xf32>
      %add3A_259 = arith.constant 0 : i32
      %add3A_260 = arith.addi %add3A_259, %mul3A_253 : i32
      %get3A_261 = arith.index_cast %add3A_260 : i32 to index
      %get3A_262 = tpu.vector_load %arg8[%get3A_261] {strides = array<i32>} : memref<1664xf32, #tpu.memory_space<vmem>>, vector<16xf32>,
      %get3A_263 = vector.shape_cast %get3A_262 : vector<16xf32> to vector<16xf32>
      %sub3A_264 = arith.subf %get3A_258, %get3A_263 : vector<16xf32>
      %add3A_265 = arith.addi %mul3A_78, %mul3A_253 : i32
      %add3A_266 = vector.broadcast %add3A_265 : i32 to vector<16xi32>
      %add3A_267 = arith.addi %add3A_266, %iota3A : vector<16xi32>
      %lt3A_268 = arith.constant 20000 : i32
      %lt3A_269 = vector.broadcast %lt3A_268 : i32 to vector<16xi32>
      %lt3A_270 = arith.cmpi slt, %add3A_267, %lt3A_269 : vector<16xi32>
      %mul3A_271 = arith.mulf %sub3A_264, %sub3A_264 : vector<16xf32>
      %broadcast_in_dim3A_272 = arith.constant 0.000000e+00 : f32
      %broadcast_in_dim3A_273 = vector.broadcast %broadcast_in_dim3A_272 : f32 to vector<16xf32>
      %select_n3A_274 = arith.select %lt3A_270, %mul3A_271, %broadcast_in_dim3A_273 : vector<16xi1>, vector<16xf32>
      %add3A_275 = arith.addf %add3A_249, %select_n3A_274 : vector<16xf32>
      %scan3A_276 = arith.constant 2 : i32
      %scan3A_277 = arith.addi %scan3A_224, %scan3A_276 : i32
      %mul3A_278 = arith.constant 16 : i32
      %mul3A_279 = arith.muli %scan3A_277, %mul3A_278 : i32
      %add3A_280 = arith.constant 0 : i32
      %add3A_281 = arith.addi %add3A_280, %mul3A_279 : i32
      %get3A_282 = arith.index_cast %add3A_281 : i32 to index
      %get3A_283 = tpu.vector_load %arg7[%get3A_282] {strides = array<i32>} : memref<1664xf32, #tpu.memory_space<vmem>>, vector<16xf32>,
      %get3A_284 = vector.shape_cast %get3A_283 : vector<16xf32> to vector<16xf32>
      %add3A_285 = arith.constant 0 : i32
      %add3A_286 = arith.addi %add3A_285, %mul3A_279 : i32
      %get3A_287 = arith.index_cast %add3A_286 : i32 to index
      %get3A_288 = tpu.vector_load %arg8[%get3A_287] {strides = array<i32>} : memref<1664xf32, #tpu.memory_space<vmem>>, vector<16xf32>,
      %get3A_289 = vector.shape_cast %get3A_288 : vector<16xf32> to vector<16xf32>
      %sub3A_290 = arith.subf %get3A_284, %get3A_289 : vector<16xf32>
      %add3A_291 = arith.addi %mul3A_78, %mul3A_279 : i32
      %add3A_292 = vector.broadcast %add3A_291 : i32 to vector<16xi32>
      %add3A_293 = arith.addi %add3A_292, %iota3A : vector<16xi32>
      %lt3A_294 = arith.constant 20000 : i32
      %lt3A_295 = vector.broadcast %lt3A_294 : i32 to vector<16xi32>
      %lt3A_296 = arith.cmpi slt, %add3A_293, %lt3A_295 : vector<16xi32>
      %mul3A_297 = arith.mulf %sub3A_290, %sub3A_290 : vector<16xf32>
      %broadcast_in_dim3A_298 = arith.constant 0.000000e+00 : f32
      %broadcast_in_dim3A_299 = vector.broadcast %broadcast_in_dim3A_298 : f32 to vector<16xf32>
      %select_n3A_300 = arith.select %lt3A_296, %mul3A_297, %broadcast_in_dim3A_299 : vector<16xi1>, vector<16xf32>
      %add3A_301 = arith.addf %add3A_275, %select_n3A_300 : vector<16xf32>
      %scan3A_302 = arith.constant 3 : i32
      %scan3A_303 = arith.addi %scan3A_224, %scan3A_302 : i32
      %mul3A_304 = arith.constant 16 : i32
      %mul3A_305 = arith.muli %scan3A_303, %mul3A_304 : i32
      %add3A_306 = arith.constant 0 : i32
      %add3A_307 = arith.addi %add3A_306, %mul3A_305 : i32
      %get3A_308 = arith.index_cast %add3A_307 : i32 to index
      %get3A_309 = tpu.vector_load %arg7[%get3A_308] {strides = array<i32>} : memref<1664xf32, #tpu.memory_space<vmem>>, vector<16xf32>,
      %get3A_310 = vector.shape_cast %get3A_309 : vector<16xf32> to vector<16xf32>
      %add3A_311 = arith.constant 0 : i32
      %add3A_312 = arith.addi %add3A_311, %mul3A_305 : i32
      %get3A_313 = arith.index_cast %add3A_312 : i32 to index
      %get3A_314 = tpu.vector_load %arg8[%get3A_313] {strides = array<i32>} : memref<1664xf32, #tpu.memory_space<vmem>>, vector<16xf32>,
      %get3A_315 = vector.shape_cast %get3A_314 : vector<16xf32> to vector<16xf32>
      %sub3A_316 = arith.subf %get3A_310, %get3A_315 : vector<16xf32>
      %add3A_317 = arith.addi %mul3A_78, %mul3A_305 : i32
      %add3A_318 = vector.broadcast %add3A_317 : i32 to vector<16xi32>
      %add3A_319 = arith.addi %add3A_318, %iota3A : vector<16xi32>
      %lt3A_320 = arith.constant 20000 : i32
      %lt3A_321 = vector.broadcast %lt3A_320 : i32 to vector<16xi32>
      %lt3A_322 = arith.cmpi slt, %add3A_319, %lt3A_321 : vector<16xi32>
      %mul3A_323 = arith.mulf %sub3A_316, %sub3A_316 : vector<16xf32>
      %broadcast_in_dim3A_324 = arith.constant 0.000000e+00 : f32
      %broadcast_in_dim3A_325 = vector.broadcast %broadcast_in_dim3A_324 : f32 to vector<16xf32>
      %select_n3A_326 = arith.select %lt3A_322, %mul3A_323, %broadcast_in_dim3A_325 : vector<16xi1>, vector<16xf32>
      %add3A_327 = arith.addf %add3A_301, %select_n3A_326 : vector<16xf32>
      scf.yield %add3A_327 : vector<16xf32>
    }
    %scan3A_84 = arith.constant 40 : i32
    %mul3A_85 = arith.constant 640 : i32
    %mul3A_86 = arith.muli %add3A, %mul3A_85 : i32
    %broadcast_in_dim3A_87 = arith.constant 0.000000e+00 : f32
    %broadcast_in_dim3A_88 = vector.broadcast %broadcast_in_dim3A_87 : f32 to vector<16xf32>
    %scan3A_89 = arith.constant 0 : i32
    %scan3A_90 = arith.constant 40 : i32
    %scan3A_91 = arith.addi %scan3A_89, %scan3A_90 : i32
    %scan3A_92 = arith.constant 4 : i32
    %scan3A_93 = scf.for %scan3A_224 = %scan3A_89 to %scan3A_91 step %scan3A_92 iter_args(%scan3A_225 = %broadcast_in_dim3A_88) -> (vector<16xf32>)  : i32 {
      %mul3A_226 = arith.constant 16 : i32
      %mul3A_227 = arith.muli %scan3A_224, %mul3A_226 : i32
      %add3A_228 = arith.constant 640 : i32
      %add3A_229 = arith.addi %add3A_228, %mul3A_227 : i32
      %get3A_230 = arith.index_cast %add3A_229 : i32 to index
      %get3A_231 = tpu.vector_load %arg7[%get3A_230] {strides = array<i32>} : memref<1664xf32, #tpu.memory_space<vmem>>, vector<16xf32>,
      %get3A_232 = vector.shape_cast %get3A_231 : vector<16xf32> to vector<16xf32>
      %add3A_233 = arith.constant 640 : i32
      %add3A_234 = arith.addi %add3A_233, %mul3A_227 : i32
      %get3A_235 = arith.index_cast %add3A_234 : i32 to index
      %get3A_236 = tpu.vector_load %arg8[%get3A_235] {strides = array<i32>} : memref<1664xf32, #tpu.memory_space<vmem>>, vector<16xf32>,
      %get3A_237 = vector.shape_cast %get3A_236 : vector<16xf32> to vector<16xf32>
      %sub3A_238 = arith.subf %get3A_232, %get3A_237 : vector<16xf32>
      %add3A_239 = arith.addi %mul3A_86, %mul3A_227 : i32
      %add3A_240 = vector.broadcast %add3A_239 : i32 to vector<16xi32>
      %add3A_241 = arith.addi %add3A_240, %iota3A : vector<16xi32>
      %lt3A_242 = arith.constant 20000 : i32
      %lt3A_243 = vector.broadcast %lt3A_242 : i32 to vector<16xi32>
      %lt3A_244 = arith.cmpi slt, %add3A_241, %lt3A_243 : vector<16xi32>
      %mul3A_245 = arith.mulf %sub3A_238, %sub3A_238 : vector<16xf32>
      %broadcast_in_dim3A_246 = arith.constant 0.000000e+00 : f32
      %broadcast_in_dim3A_247 = vector.broadcast %broadcast_in_dim3A_246 : f32 to vector<16xf32>
      %select_n3A_248 = arith.select %lt3A_244, %mul3A_245, %broadcast_in_dim3A_247 : vector<16xi1>, vector<16xf32>
      %add3A_249 = arith.addf %scan3A_225, %select_n3A_248 : vector<16xf32>
      %scan3A_250 = arith.constant 1 : i32
      %scan3A_251 = arith.addi %scan3A_224, %scan3A_250 : i32
      %mul3A_252 = arith.constant 16 : i32
      %mul3A_253 = arith.muli %scan3A_251, %mul3A_252 : i32
      %add3A_254 = arith.constant 640 : i32
      %add3A_255 = arith.addi %add3A_254, %mul3A_253 : i32
      %get3A_256 = arith.index_cast %add3A_255 : i32 to index
      %get3A_257 = tpu.vector_load %arg7[%get3A_256] {strides = array<i32>} : memref<1664xf32, #tpu.memory_space<vmem>>, vector<16xf32>,
      %get3A_258 = vector.shape_cast %get3A_257 : vector<16xf32> to vector<16xf32>
      %add3A_259 = arith.constant 640 : i32
      %add3A_260 = arith.addi %add3A_259, %mul3A_253 : i32
      %get3A_261 = arith.index_cast %add3A_260 : i32 to index
      %get3A_262 = tpu.vector_load %arg8[%get3A_261] {strides = array<i32>} : memref<1664xf32, #tpu.memory_space<vmem>>, vector<16xf32>,
      %get3A_263 = vector.shape_cast %get3A_262 : vector<16xf32> to vector<16xf32>
      %sub3A_264 = arith.subf %get3A_258, %get3A_263 : vector<16xf32>
      %add3A_265 = arith.addi %mul3A_86, %mul3A_253 : i32
      %add3A_266 = vector.broadcast %add3A_265 : i32 to vector<16xi32>
      %add3A_267 = arith.addi %add3A_266, %iota3A : vector<16xi32>
      %lt3A_268 = arith.constant 20000 : i32
      %lt3A_269 = vector.broadcast %lt3A_268 : i32 to vector<16xi32>
      %lt3A_270 = arith.cmpi slt, %add3A_267, %lt3A_269 : vector<16xi32>
      %mul3A_271 = arith.mulf %sub3A_264, %sub3A_264 : vector<16xf32>
      %broadcast_in_dim3A_272 = arith.constant 0.000000e+00 : f32
      %broadcast_in_dim3A_273 = vector.broadcast %broadcast_in_dim3A_272 : f32 to vector<16xf32>
      %select_n3A_274 = arith.select %lt3A_270, %mul3A_271, %broadcast_in_dim3A_273 : vector<16xi1>, vector<16xf32>
      %add3A_275 = arith.addf %add3A_249, %select_n3A_274 : vector<16xf32>
      %scan3A_276 = arith.constant 2 : i32
      %scan3A_277 = arith.addi %scan3A_224, %scan3A_276 : i32
      %mul3A_278 = arith.constant 16 : i32
      %mul3A_279 = arith.muli %scan3A_277, %mul3A_278 : i32
      %add3A_280 = arith.constant 640 : i32
      %add3A_281 = arith.addi %add3A_280, %mul3A_279 : i32
      %get3A_282 = arith.index_cast %add3A_281 : i32 to index
      %get3A_283 = tpu.vector_load %arg7[%get3A_282] {strides = array<i32>} : memref<1664xf32, #tpu.memory_space<vmem>>, vector<16xf32>,
      %get3A_284 = vector.shape_cast %get3A_283 : vector<16xf32> to vector<16xf32>
      %add3A_285 = arith.constant 640 : i32
      %add3A_286 = arith.addi %add3A_285, %mul3A_279 : i32
      %get3A_287 = arith.index_cast %add3A_286 : i32 to index
      %get3A_288 = tpu.vector_load %arg8[%get3A_287] {strides = array<i32>} : memref<1664xf32, #tpu.memory_space<vmem>>, vector<16xf32>,
      %get3A_289 = vector.shape_cast %get3A_288 : vector<16xf32> to vector<16xf32>
      %sub3A_290 = arith.subf %get3A_284, %get3A_289 : vector<16xf32>
      %add3A_291 = arith.addi %mul3A_86, %mul3A_279 : i32
      %add3A_292 = vector.broadcast %add3A_291 : i32 to vector<16xi32>
      %add3A_293 = arith.addi %add3A_292, %iota3A : vector<16xi32>
      %lt3A_294 = arith.constant 20000 : i32
      %lt3A_295 = vector.broadcast %lt3A_294 : i32 to vector<16xi32>
      %lt3A_296 = arith.cmpi slt, %add3A_293, %lt3A_295 : vector<16xi32>
      %mul3A_297 = arith.mulf %sub3A_290, %sub3A_290 : vector<16xf32>
      %broadcast_in_dim3A_298 = arith.constant 0.000000e+00 : f32
      %broadcast_in_dim3A_299 = vector.broadcast %broadcast_in_dim3A_298 : f32 to vector<16xf32>
      %select_n3A_300 = arith.select %lt3A_296, %mul3A_297, %broadcast_in_dim3A_299 : vector<16xi1>, vector<16xf32>
      %add3A_301 = arith.addf %add3A_275, %select_n3A_300 : vector<16xf32>
      %scan3A_302 = arith.constant 3 : i32
      %scan3A_303 = arith.addi %scan3A_224, %scan3A_302 : i32
      %mul3A_304 = arith.constant 16 : i32
      %mul3A_305 = arith.muli %scan3A_303, %mul3A_304 : i32
      %add3A_306 = arith.constant 640 : i32
      %add3A_307 = arith.addi %add3A_306, %mul3A_305 : i32
      %get3A_308 = arith.index_cast %add3A_307 : i32 to index
      %get3A_309 = tpu.vector_load %arg7[%get3A_308] {strides = array<i32>} : memref<1664xf32, #tpu.memory_space<vmem>>, vector<16xf32>,
      %get3A_310 = vector.shape_cast %get3A_309 : vector<16xf32> to vector<16xf32>
      %add3A_311 = arith.constant 640 : i32
      %add3A_312 = arith.addi %add3A_311, %mul3A_305 : i32
      %get3A_313 = arith.index_cast %add3A_312 : i32 to index
      %get3A_314 = tpu.vector_load %arg8[%get3A_313] {strides = array<i32>} : memref<1664xf32, #tpu.memory_space<vmem>>, vector<16xf32>,
      %get3A_315 = vector.shape_cast %get3A_314 : vector<16xf32> to vector<16xf32>
      %sub3A_316 = arith.subf %get3A_310, %get3A_315 : vector<16xf32>
      %add3A_317 = arith.addi %mul3A_86, %mul3A_305 : i32
      %add3A_318 = vector.broadcast %add3A_317 : i32 to vector<16xi32>
      %add3A_319 = arith.addi %add3A_318, %iota3A : vector<16xi32>
      %lt3A_320 = arith.constant 20000 : i32
      %lt3A_321 = vector.broadcast %lt3A_320 : i32 to vector<16xi32>
      %lt3A_322 = arith.cmpi slt, %add3A_319, %lt3A_321 : vector<16xi32>
      %mul3A_323 = arith.mulf %sub3A_316, %sub3A_316 : vector<16xf32>
      %broadcast_in_dim3A_324 = arith.constant 0.000000e+00 : f32
      %broadcast_in_dim3A_325 = vector.broadcast %broadcast_in_dim3A_324 : f32 to vector<16xf32>
      %select_n3A_326 = arith.select %lt3A_322, %mul3A_323, %broadcast_in_dim3A_325 : vector<16xi1>, vector<16xf32>
      %add3A_327 = arith.addf %add3A_301, %select_n3A_326 : vector<16xf32>
      scf.yield %add3A_327 : vector<16xf32>
    }
    %scan3A_94 = arith.constant 40 : i32
    %mul3A_95 = arith.constant 160 : i32
    %mul3A_96 = arith.muli %add3A, %mul3A_95 : i32
    %broadcast_in_dim3A_97 = arith.constant 0.000000e+00 : f32
    %broadcast_in_dim3A_98 = vector.broadcast %broadcast_in_dim3A_97 : f32 to vector<16xf32>
    %scan3A_99 = arith.constant 0 : i32
    %scan3A_100 = arith.constant 8 : i32
    %scan3A_101 = arith.addi %scan3A_99, %scan3A_100 : i32
    %scan3A_102 = arith.constant 4 : i32
    %scan3A_103 = scf.for %scan3A_224 = %scan3A_99 to %scan3A_101 step %scan3A_102 iter_args(%scan3A_225 = %broadcast_in_dim3A_98) -> (vector<16xf32>)  : i32 {
      %mul3A_226 = arith.constant 16 : i32
      %mul3A_227 = arith.muli %scan3A_224, %mul3A_226 : i32
      %add3A_228 = arith.constant 1280 : i32
      %add3A_229 = arith.addi %add3A_228, %mul3A_227 : i32
      %get3A_230 = arith.index_cast %add3A_229 : i32 to index
      %get3A_231 = tpu.vector_load %arg7[%get3A_230] {strides = array<i32>} : memref<1664xf32, #tpu.memory_space<vmem>>, vector<16xf32>,
      %get3A_232 = vector.shape_cast %get3A_231 : vector<16xf32> to vector<16xf32>
      %add3A_233 = arith.constant 1440 : i32
      %add3A_234 = arith.addi %add3A_233, %mul3A_227 : i32
      %get3A_235 = arith.index_cast %add3A_234 : i32 to index
      %get3A_236 = tpu.vector_load %arg7[%get3A_235] {strides = array<i32>} : memref<1664xf32, #tpu.memory_space<vmem>>, vector<16xf32>,
      %get3A_237 = vector.shape_cast %get3A_236 : vector<16xf32> to vector<16xf32>
      %sub3A_238 = arith.subf %get3A_232, %get3A_237 : vector<16xf32>
      %add3A_239 = arith.addi %mul3A_96, %mul3A_227 : i32
      %add3A_240 = vector.broadcast %add3A_239 : i32 to vector<16xi32>
      %add3A_241 = arith.addi %add3A_240, %iota3A : vector<16xi32>
      %lt3A_242 = arith.constant 5000 : i32
      %lt3A_243 = vector.broadcast %lt3A_242 : i32 to vector<16xi32>
      %lt3A_244 = arith.cmpi slt, %add3A_241, %lt3A_243 : vector<16xi32>
      %mul3A_245 = arith.mulf %sub3A_238, %sub3A_238 : vector<16xf32>
      %broadcast_in_dim3A_246 = arith.constant 0.000000e+00 : f32
      %broadcast_in_dim3A_247 = vector.broadcast %broadcast_in_dim3A_246 : f32 to vector<16xf32>
      %select_n3A_248 = arith.select %lt3A_244, %mul3A_245, %broadcast_in_dim3A_247 : vector<16xi1>, vector<16xf32>
      %add3A_249 = arith.addf %scan3A_225, %select_n3A_248 : vector<16xf32>
      %scan3A_250 = arith.constant 1 : i32
      %scan3A_251 = arith.addi %scan3A_224, %scan3A_250 : i32
      %mul3A_252 = arith.constant 16 : i32
      %mul3A_253 = arith.muli %scan3A_251, %mul3A_252 : i32
      %add3A_254 = arith.constant 1280 : i32
      %add3A_255 = arith.addi %add3A_254, %mul3A_253 : i32
      %get3A_256 = arith.index_cast %add3A_255 : i32 to index
      %get3A_257 = tpu.vector_load %arg7[%get3A_256] {strides = array<i32>} : memref<1664xf32, #tpu.memory_space<vmem>>, vector<16xf32>,
      %get3A_258 = vector.shape_cast %get3A_257 : vector<16xf32> to vector<16xf32>
      %add3A_259 = arith.constant 1440 : i32
      %add3A_260 = arith.addi %add3A_259, %mul3A_253 : i32
      %get3A_261 = arith.index_cast %add3A_260 : i32 to index
      %get3A_262 = tpu.vector_load %arg7[%get3A_261] {strides = array<i32>} : memref<1664xf32, #tpu.memory_space<vmem>>, vector<16xf32>,
      %get3A_263 = vector.shape_cast %get3A_262 : vector<16xf32> to vector<16xf32>
      %sub3A_264 = arith.subf %get3A_258, %get3A_263 : vector<16xf32>
      %add3A_265 = arith.addi %mul3A_96, %mul3A_253 : i32
      %add3A_266 = vector.broadcast %add3A_265 : i32 to vector<16xi32>
      %add3A_267 = arith.addi %add3A_266, %iota3A : vector<16xi32>
      %lt3A_268 = arith.constant 5000 : i32
      %lt3A_269 = vector.broadcast %lt3A_268 : i32 to vector<16xi32>
      %lt3A_270 = arith.cmpi slt, %add3A_267, %lt3A_269 : vector<16xi32>
      %mul3A_271 = arith.mulf %sub3A_264, %sub3A_264 : vector<16xf32>
      %broadcast_in_dim3A_272 = arith.constant 0.000000e+00 : f32
      %broadcast_in_dim3A_273 = vector.broadcast %broadcast_in_dim3A_272 : f32 to vector<16xf32>
      %select_n3A_274 = arith.select %lt3A_270, %mul3A_271, %broadcast_in_dim3A_273 : vector<16xi1>, vector<16xf32>
      %add3A_275 = arith.addf %add3A_249, %select_n3A_274 : vector<16xf32>
      %scan3A_276 = arith.constant 2 : i32
      %scan3A_277 = arith.addi %scan3A_224, %scan3A_276 : i32
      %mul3A_278 = arith.constant 16 : i32
      %mul3A_279 = arith.muli %scan3A_277, %mul3A_278 : i32
      %add3A_280 = arith.constant 1280 : i32
      %add3A_281 = arith.addi %add3A_280, %mul3A_279 : i32
      %get3A_282 = arith.index_cast %add3A_281 : i32 to index
      %get3A_283 = tpu.vector_load %arg7[%get3A_282] {strides = array<i32>} : memref<1664xf32, #tpu.memory_space<vmem>>, vector<16xf32>,
      %get3A_284 = vector.shape_cast %get3A_283 : vector<16xf32> to vector<16xf32>
      %add3A_285 = arith.constant 1440 : i32
      %add3A_286 = arith.addi %add3A_285, %mul3A_279 : i32
      %get3A_287 = arith.index_cast %add3A_286 : i32 to index
      %get3A_288 = tpu.vector_load %arg7[%get3A_287] {strides = array<i32>} : memref<1664xf32, #tpu.memory_space<vmem>>, vector<16xf32>,
      %get3A_289 = vector.shape_cast %get3A_288 : vector<16xf32> to vector<16xf32>
      %sub3A_290 = arith.subf %get3A_284, %get3A_289 : vector<16xf32>
      %add3A_291 = arith.addi %mul3A_96, %mul3A_279 : i32
      %add3A_292 = vector.broadcast %add3A_291 : i32 to vector<16xi32>
      %add3A_293 = arith.addi %add3A_292, %iota3A : vector<16xi32>
      %lt3A_294 = arith.constant 5000 : i32
      %lt3A_295 = vector.broadcast %lt3A_294 : i32 to vector<16xi32>
      %lt3A_296 = arith.cmpi slt, %add3A_293, %lt3A_295 : vector<16xi32>
      %mul3A_297 = arith.mulf %sub3A_290, %sub3A_290 : vector<16xf32>
      %broadcast_in_dim3A_298 = arith.constant 0.000000e+00 : f32
      %broadcast_in_dim3A_299 = vector.broadcast %broadcast_in_dim3A_298 : f32 to vector<16xf32>
      %select_n3A_300 = arith.select %lt3A_296, %mul3A_297, %broadcast_in_dim3A_299 : vector<16xi1>, vector<16xf32>
      %add3A_301 = arith.addf %add3A_275, %select_n3A_300 : vector<16xf32>
      %scan3A_302 = arith.constant 3 : i32
      %scan3A_303 = arith.addi %scan3A_224, %scan3A_302 : i32
      %mul3A_304 = arith.constant 16 : i32
      %mul3A_305 = arith.muli %scan3A_303, %mul3A_304 : i32
      %add3A_306 = arith.constant 1280 : i32
      %add3A_307 = arith.addi %add3A_306, %mul3A_305 : i32
      %get3A_308 = arith.index_cast %add3A_307 : i32 to index
      %get3A_309 = tpu.vector_load %arg7[%get3A_308] {strides = array<i32>} : memref<1664xf32, #tpu.memory_space<vmem>>, vector<16xf32>,
      %get3A_310 = vector.shape_cast %get3A_309 : vector<16xf32> to vector<16xf32>
      %add3A_311 = arith.constant 1440 : i32
      %add3A_312 = arith.addi %add3A_311, %mul3A_305 : i32
      %get3A_313 = arith.index_cast %add3A_312 : i32 to index
      %get3A_314 = tpu.vector_load %arg7[%get3A_313] {strides = array<i32>} : memref<1664xf32, #tpu.memory_space<vmem>>, vector<16xf32>,
      %get3A_315 = vector.shape_cast %get3A_314 : vector<16xf32> to vector<16xf32>
      %sub3A_316 = arith.subf %get3A_310, %get3A_315 : vector<16xf32>
      %add3A_317 = arith.addi %mul3A_96, %mul3A_305 : i32
      %add3A_318 = vector.broadcast %add3A_317 : i32 to vector<16xi32>
      %add3A_319 = arith.addi %add3A_318, %iota3A : vector<16xi32>
      %lt3A_320 = arith.constant 5000 : i32
      %lt3A_321 = vector.broadcast %lt3A_320 : i32 to vector<16xi32>
      %lt3A_322 = arith.cmpi slt, %add3A_319, %lt3A_321 : vector<16xi32>
      %mul3A_323 = arith.mulf %sub3A_316, %sub3A_316 : vector<16xf32>
      %broadcast_in_dim3A_324 = arith.constant 0.000000e+00 : f32
      %broadcast_in_dim3A_325 = vector.broadcast %broadcast_in_dim3A_324 : f32 to vector<16xf32>
      %select_n3A_326 = arith.select %lt3A_322, %mul3A_323, %broadcast_in_dim3A_325 : vector<16xi1>, vector<16xf32>
      %add3A_327 = arith.addf %add3A_301, %select_n3A_326 : vector<16xf32>
      scf.yield %add3A_327 : vector<16xf32>
    }
    %scan3A_104 = arith.constant 8 : i32
    %scan3A_105 = arith.addi %scan3A_99, %scan3A_104 : i32
    %mul3A_106 = arith.constant 16 : i32
    %mul3A_107 = arith.muli %scan3A_105, %mul3A_106 : i32
    %add3A_108 = arith.constant 1280 : i32
    %add3A_109 = arith.addi %add3A_108, %mul3A_107 : i32
    %get3A = arith.index_cast %add3A_109 : i32 to index
    %get3A_110 = tpu.vector_load %arg7[%get3A] {strides = array<i32>} : memref<1664xf32, #tpu.memory_space<vmem>>, vector<16xf32>,
    %get3A_111 = vector.shape_cast %get3A_110 : vector<16xf32> to vector<16xf32>
    %add3A_112 = arith.constant 1440 : i32
    %add3A_113 = arith.addi %add3A_112, %mul3A_107 : i32
    %get3A_114 = arith.index_cast %add3A_113 : i32 to index
    %get3A_115 = tpu.vector_load %arg7[%get3A_114] {strides = array<i32>} : memref<1664xf32, #tpu.memory_space<vmem>>, vector<16xf32>,
    %get3A_116 = vector.shape_cast %get3A_115 : vector<16xf32> to vector<16xf32>
    %sub3A = arith.subf %get3A_111, %get3A_116 : vector<16xf32>
    %add3A_117 = arith.addi %mul3A_96, %mul3A_107 : i32
    %add3A_118 = vector.broadcast %add3A_117 : i32 to vector<16xi32>
    %add3A_119 = arith.addi %add3A_118, %iota3A : vector<16xi32>
    %lt3A = arith.constant 5000 : i32
    %lt3A_120 = vector.broadcast %lt3A : i32 to vector<16xi32>
    %lt3A_121 = arith.cmpi slt, %add3A_119, %lt3A_120 : vector<16xi32>
    %mul3A_122 = arith.mulf %sub3A, %sub3A : vector<16xf32>
    %broadcast_in_dim3A_123 = arith.constant 0.000000e+00 : f32
    %broadcast_in_dim3A_124 = vector.broadcast %broadcast_in_dim3A_123 : f32 to vector<16xf32>
    %select_n3A = arith.select %lt3A_121, %mul3A_122, %broadcast_in_dim3A_124 : vector<16xi1>, vector<16xf32>
    %add3A_125 = arith.addf %scan3A_103, %select_n3A : vector<16xf32>
    %scan3A_126 = arith.constant 9 : i32
    %scan3A_127 = arith.addi %scan3A_99, %scan3A_126 : i32
    %mul3A_128 = arith.constant 16 : i32
    %mul3A_129 = arith.muli %scan3A_127, %mul3A_128 : i32
    %add3A_130 = arith.constant 1280 : i32
    %add3A_131 = arith.addi %add3A_130, %mul3A_129 : i32
    %get3A_132 = arith.index_cast %add3A_131 : i32 to index
    %get3A_133 = tpu.vector_load %arg7[%get3A_132] {strides = array<i32>} : memref<1664xf32, #tpu.memory_space<vmem>>, vector<16xf32>,
    %get3A_134 = vector.shape_cast %get3A_133 : vector<16xf32> to vector<16xf32>
    %add3A_135 = arith.constant 1440 : i32
    %add3A_136 = arith.addi %add3A_135, %mul3A_129 : i32
    %get3A_137 = arith.index_cast %add3A_136 : i32 to index
    %get3A_138 = tpu.vector_load %arg7[%get3A_137] {strides = array<i32>} : memref<1664xf32, #tpu.memory_space<vmem>>, vector<16xf32>,
    %get3A_139 = vector.shape_cast %get3A_138 : vector<16xf32> to vector<16xf32>
    %sub3A_140 = arith.subf %get3A_134, %get3A_139 : vector<16xf32>
    %add3A_141 = arith.addi %mul3A_96, %mul3A_129 : i32
    %add3A_142 = vector.broadcast %add3A_141 : i32 to vector<16xi32>
    %add3A_143 = arith.addi %add3A_142, %iota3A : vector<16xi32>
    %lt3A_144 = arith.constant 5000 : i32
    %lt3A_145 = vector.broadcast %lt3A_144 : i32 to vector<16xi32>
    %lt3A_146 = arith.cmpi slt, %add3A_143, %lt3A_145 : vector<16xi32>
    %mul3A_147 = arith.mulf %sub3A_140, %sub3A_140 : vector<16xf32>
    %broadcast_in_dim3A_148 = arith.constant 0.000000e+00 : f32
    %broadcast_in_dim3A_149 = vector.broadcast %broadcast_in_dim3A_148 : f32 to vector<16xf32>
    %select_n3A_150 = arith.select %lt3A_146, %mul3A_147, %broadcast_in_dim3A_149 : vector<16xi1>, vector<16xf32>
    %add3A_151 = arith.addf %add3A_125, %select_n3A_150 : vector<16xf32>
    %scan3A_152 = arith.constant 10 : i32
    %mul3A_153 = arith.constant 160 : i32
    %mul3A_154 = arith.muli %add3A, %mul3A_153 : i32
    %broadcast_in_dim3A_155 = arith.constant 0.000000e+00 : f32
    %broadcast_in_dim3A_156 = vector.broadcast %broadcast_in_dim3A_155 : f32 to vector<16xf32>
    %scan3A_157 = arith.constant 0 : i32
    %scan3A_158 = arith.constant 8 : i32
    %scan3A_159 = arith.addi %scan3A_157, %scan3A_158 : i32
    %scan3A_160 = arith.constant 4 : i32
    %scan3A_161 = scf.for %scan3A_224 = %scan3A_157 to %scan3A_159 step %scan3A_160 iter_args(%scan3A_225 = %broadcast_in_dim3A_156) -> (vector<16xf32>)  : i32 {
      %mul3A_226 = arith.constant 16 : i32
      %mul3A_227 = arith.muli %scan3A_224, %mul3A_226 : i32
      %add3A_228 = arith.constant 1280 : i32
      %add3A_229 = arith.addi %add3A_228, %mul3A_227 : i32
      %get3A_230 = arith.index_cast %add3A_229 : i32 to index
      %get3A_231 = tpu.vector_load %arg8[%get3A_230] {strides = array<i32>} : memref<1664xf32, #tpu.memory_space<vmem>>, vector<16xf32>,
      %get3A_232 = vector.shape_cast %get3A_231 : vector<16xf32> to vector<16xf32>
      %add3A_233 = arith.constant 1440 : i32
      %add3A_234 = arith.addi %add3A_233, %mul3A_227 : i32
      %get3A_235 = arith.index_cast %add3A_234 : i32 to index
      %get3A_236 = tpu.vector_load %arg8[%get3A_235] {strides = array<i32>} : memref<1664xf32, #tpu.memory_space<vmem>>, vector<16xf32>,
      %get3A_237 = vector.shape_cast %get3A_236 : vector<16xf32> to vector<16xf32>
      %sub3A_238 = arith.subf %get3A_232, %get3A_237 : vector<16xf32>
      %add3A_239 = arith.addi %mul3A_154, %mul3A_227 : i32
      %add3A_240 = vector.broadcast %add3A_239 : i32 to vector<16xi32>
      %add3A_241 = arith.addi %add3A_240, %iota3A : vector<16xi32>
      %lt3A_242 = arith.constant 5000 : i32
      %lt3A_243 = vector.broadcast %lt3A_242 : i32 to vector<16xi32>
      %lt3A_244 = arith.cmpi slt, %add3A_241, %lt3A_243 : vector<16xi32>
      %mul3A_245 = arith.mulf %sub3A_238, %sub3A_238 : vector<16xf32>
      %broadcast_in_dim3A_246 = arith.constant 0.000000e+00 : f32
      %broadcast_in_dim3A_247 = vector.broadcast %broadcast_in_dim3A_246 : f32 to vector<16xf32>
      %select_n3A_248 = arith.select %lt3A_244, %mul3A_245, %broadcast_in_dim3A_247 : vector<16xi1>, vector<16xf32>
      %add3A_249 = arith.addf %scan3A_225, %select_n3A_248 : vector<16xf32>
      %scan3A_250 = arith.constant 1 : i32
      %scan3A_251 = arith.addi %scan3A_224, %scan3A_250 : i32
      %mul3A_252 = arith.constant 16 : i32
      %mul3A_253 = arith.muli %scan3A_251, %mul3A_252 : i32
      %add3A_254 = arith.constant 1280 : i32
      %add3A_255 = arith.addi %add3A_254, %mul3A_253 : i32
      %get3A_256 = arith.index_cast %add3A_255 : i32 to index
      %get3A_257 = tpu.vector_load %arg8[%get3A_256] {strides = array<i32>} : memref<1664xf32, #tpu.memory_space<vmem>>, vector<16xf32>,
      %get3A_258 = vector.shape_cast %get3A_257 : vector<16xf32> to vector<16xf32>
      %add3A_259 = arith.constant 1440 : i32
      %add3A_260 = arith.addi %add3A_259, %mul3A_253 : i32
      %get3A_261 = arith.index_cast %add3A_260 : i32 to index
      %get3A_262 = tpu.vector_load %arg8[%get3A_261] {strides = array<i32>} : memref<1664xf32, #tpu.memory_space<vmem>>, vector<16xf32>,
      %get3A_263 = vector.shape_cast %get3A_262 : vector<16xf32> to vector<16xf32>
      %sub3A_264 = arith.subf %get3A_258, %get3A_263 : vector<16xf32>
      %add3A_265 = arith.addi %mul3A_154, %mul3A_253 : i32
      %add3A_266 = vector.broadcast %add3A_265 : i32 to vector<16xi32>
      %add3A_267 = arith.addi %add3A_266, %iota3A : vector<16xi32>
      %lt3A_268 = arith.constant 5000 : i32
      %lt3A_269 = vector.broadcast %lt3A_268 : i32 to vector<16xi32>
      %lt3A_270 = arith.cmpi slt, %add3A_267, %lt3A_269 : vector<16xi32>
      %mul3A_271 = arith.mulf %sub3A_264, %sub3A_264 : vector<16xf32>
      %broadcast_in_dim3A_272 = arith.constant 0.000000e+00 : f32
      %broadcast_in_dim3A_273 = vector.broadcast %broadcast_in_dim3A_272 : f32 to vector<16xf32>
      %select_n3A_274 = arith.select %lt3A_270, %mul3A_271, %broadcast_in_dim3A_273 : vector<16xi1>, vector<16xf32>
      %add3A_275 = arith.addf %add3A_249, %select_n3A_274 : vector<16xf32>
      %scan3A_276 = arith.constant 2 : i32
      %scan3A_277 = arith.addi %scan3A_224, %scan3A_276 : i32
      %mul3A_278 = arith.constant 16 : i32
      %mul3A_279 = arith.muli %scan3A_277, %mul3A_278 : i32
      %add3A_280 = arith.constant 1280 : i32
      %add3A_281 = arith.addi %add3A_280, %mul3A_279 : i32
      %get3A_282 = arith.index_cast %add3A_281 : i32 to index
      %get3A_283 = tpu.vector_load %arg8[%get3A_282] {strides = array<i32>} : memref<1664xf32, #tpu.memory_space<vmem>>, vector<16xf32>,
      %get3A_284 = vector.shape_cast %get3A_283 : vector<16xf32> to vector<16xf32>
      %add3A_285 = arith.constant 1440 : i32
      %add3A_286 = arith.addi %add3A_285, %mul3A_279 : i32
      %get3A_287 = arith.index_cast %add3A_286 : i32 to index
      %get3A_288 = tpu.vector_load %arg8[%get3A_287] {strides = array<i32>} : memref<1664xf32, #tpu.memory_space<vmem>>, vector<16xf32>,
      %get3A_289 = vector.shape_cast %get3A_288 : vector<16xf32> to vector<16xf32>
      %sub3A_290 = arith.subf %get3A_284, %get3A_289 : vector<16xf32>
      %add3A_291 = arith.addi %mul3A_154, %mul3A_279 : i32
      %add3A_292 = vector.broadcast %add3A_291 : i32 to vector<16xi32>
      %add3A_293 = arith.addi %add3A_292, %iota3A : vector<16xi32>
      %lt3A_294 = arith.constant 5000 : i32
      %lt3A_295 = vector.broadcast %lt3A_294 : i32 to vector<16xi32>
      %lt3A_296 = arith.cmpi slt, %add3A_293, %lt3A_295 : vector<16xi32>
      %mul3A_297 = arith.mulf %sub3A_290, %sub3A_290 : vector<16xf32>
      %broadcast_in_dim3A_298 = arith.constant 0.000000e+00 : f32
      %broadcast_in_dim3A_299 = vector.broadcast %broadcast_in_dim3A_298 : f32 to vector<16xf32>
      %select_n3A_300 = arith.select %lt3A_296, %mul3A_297, %broadcast_in_dim3A_299 : vector<16xi1>, vector<16xf32>
      %add3A_301 = arith.addf %add3A_275, %select_n3A_300 : vector<16xf32>
      %scan3A_302 = arith.constant 3 : i32
      %scan3A_303 = arith.addi %scan3A_224, %scan3A_302 : i32
      %mul3A_304 = arith.constant 16 : i32
      %mul3A_305 = arith.muli %scan3A_303, %mul3A_304 : i32
      %add3A_306 = arith.constant 1280 : i32
      %add3A_307 = arith.addi %add3A_306, %mul3A_305 : i32
      %get3A_308 = arith.index_cast %add3A_307 : i32 to index
      %get3A_309 = tpu.vector_load %arg8[%get3A_308] {strides = array<i32>} : memref<1664xf32, #tpu.memory_space<vmem>>, vector<16xf32>,
      %get3A_310 = vector.shape_cast %get3A_309 : vector<16xf32> to vector<16xf32>
      %add3A_311 = arith.constant 1440 : i32
      %add3A_312 = arith.addi %add3A_311, %mul3A_305 : i32
      %get3A_313 = arith.index_cast %add3A_312 : i32 to index
      %get3A_314 = tpu.vector_load %arg8[%get3A_313] {strides = array<i32>} : memref<1664xf32, #tpu.memory_space<vmem>>, vector<16xf32>,
      %get3A_315 = vector.shape_cast %get3A_314 : vector<16xf32> to vector<16xf32>
      %sub3A_316 = arith.subf %get3A_310, %get3A_315 : vector<16xf32>
      %add3A_317 = arith.addi %mul3A_154, %mul3A_305 : i32
      %add3A_318 = vector.broadcast %add3A_317 : i32 to vector<16xi32>
      %add3A_319 = arith.addi %add3A_318, %iota3A : vector<16xi32>
      %lt3A_320 = arith.constant 5000 : i32
      %lt3A_321 = vector.broadcast %lt3A_320 : i32 to vector<16xi32>
      %lt3A_322 = arith.cmpi slt, %add3A_319, %lt3A_321 : vector<16xi32>
      %mul3A_323 = arith.mulf %sub3A_316, %sub3A_316 : vector<16xf32>
      %broadcast_in_dim3A_324 = arith.constant 0.000000e+00 : f32
      %broadcast_in_dim3A_325 = vector.broadcast %broadcast_in_dim3A_324 : f32 to vector<16xf32>
      %select_n3A_326 = arith.select %lt3A_322, %mul3A_323, %broadcast_in_dim3A_325 : vector<16xi1>, vector<16xf32>
      %add3A_327 = arith.addf %add3A_301, %select_n3A_326 : vector<16xf32>
      scf.yield %add3A_327 : vector<16xf32>
    }
    %scan3A_162 = arith.constant 8 : i32
    %scan3A_163 = arith.addi %scan3A_157, %scan3A_162 : i32
    %mul3A_164 = arith.constant 16 : i32
    %mul3A_165 = arith.muli %scan3A_163, %mul3A_164 : i32
    %add3A_166 = arith.constant 1280 : i32
    %add3A_167 = arith.addi %add3A_166, %mul3A_165 : i32
    %get3A_168 = arith.index_cast %add3A_167 : i32 to index
    %get3A_169 = tpu.vector_load %arg8[%get3A_168] {strides = array<i32>} : memref<1664xf32, #tpu.memory_space<vmem>>, vector<16xf32>,
    %get3A_170 = vector.shape_cast %get3A_169 : vector<16xf32> to vector<16xf32>
    %add3A_171 = arith.constant 1440 : i32
    %add3A_172 = arith.addi %add3A_171, %mul3A_165 : i32
    %get3A_173 = arith.index_cast %add3A_172 : i32 to index
    %get3A_174 = tpu.vector_load %arg8[%get3A_173] {strides = array<i32>} : memref<1664xf32, #tpu.memory_space<vmem>>, vector<16xf32>,
    %get3A_175 = vector.shape_cast %get3A_174 : vector<16xf32> to vector<16xf32>
    %sub3A_176 = arith.subf %get3A_170, %get3A_175 : vector<16xf32>
    %add3A_177 = arith.addi %mul3A_154, %mul3A_165 : i32
    %add3A_178 = vector.broadcast %add3A_177 : i32 to vector<16xi32>
    %add3A_179 = arith.addi %add3A_178, %iota3A : vector<16xi32>
    %lt3A_180 = arith.constant 5000 : i32
    %lt3A_181 = vector.broadcast %lt3A_180 : i32 to vector<16xi32>
    %lt3A_182 = arith.cmpi slt, %add3A_179, %lt3A_181 : vector<16xi32>
    %mul3A_183 = arith.mulf %sub3A_176, %sub3A_176 : vector<16xf32>
    %broadcast_in_dim3A_184 = arith.constant 0.000000e+00 : f32
    %broadcast_in_dim3A_185 = vector.broadcast %broadcast_in_dim3A_184 : f32 to vector<16xf32>
    %select_n3A_186 = arith.select %lt3A_182, %mul3A_183, %broadcast_in_dim3A_185 : vector<16xi1>, vector<16xf32>
    %add3A_187 = arith.addf %scan3A_161, %select_n3A_186 : vector<16xf32>
    %scan3A_188 = arith.constant 9 : i32
    %scan3A_189 = arith.addi %scan3A_157, %scan3A_188 : i32
    %mul3A_190 = arith.constant 16 : i32
    %mul3A_191 = arith.muli %scan3A_189, %mul3A_190 : i32
    %add3A_192 = arith.constant 1280 : i32
    %add3A_193 = arith.addi %add3A_192, %mul3A_191 : i32
    %get3A_194 = arith.index_cast %add3A_193 : i32 to index
    %get3A_195 = tpu.vector_load %arg8[%get3A_194] {strides = array<i32>} : memref<1664xf32, #tpu.memory_space<vmem>>, vector<16xf32>,
    %get3A_196 = vector.shape_cast %get3A_195 : vector<16xf32> to vector<16xf32>
    %add3A_197 = arith.constant 1440 : i32
    %add3A_198 = arith.addi %add3A_197, %mul3A_191 : i32
    %get3A_199 = arith.index_cast %add3A_198 : i32 to index
    %get3A_200 = tpu.vector_load %arg8[%get3A_199] {strides = array<i32>} : memref<1664xf32, #tpu.memory_space<vmem>>, vector<16xf32>,
    %get3A_201 = vector.shape_cast %get3A_200 : vector<16xf32> to vector<16xf32>
    %sub3A_202 = arith.subf %get3A_196, %get3A_201 : vector<16xf32>
    %add3A_203 = arith.addi %mul3A_154, %mul3A_191 : i32
    %add3A_204 = vector.broadcast %add3A_203 : i32 to vector<16xi32>
    %add3A_205 = arith.addi %add3A_204, %iota3A : vector<16xi32>
    %lt3A_206 = arith.constant 5000 : i32
    %lt3A_207 = vector.broadcast %lt3A_206 : i32 to vector<16xi32>
    %lt3A_208 = arith.cmpi slt, %add3A_205, %lt3A_207 : vector<16xi32>
    %mul3A_209 = arith.mulf %sub3A_202, %sub3A_202 : vector<16xf32>
    %broadcast_in_dim3A_210 = arith.constant 0.000000e+00 : f32
    %broadcast_in_dim3A_211 = vector.broadcast %broadcast_in_dim3A_210 : f32 to vector<16xf32>
    %select_n3A_212 = arith.select %lt3A_208, %mul3A_209, %broadcast_in_dim3A_211 : vector<16xi1>, vector<16xf32>
    %add3A_213 = arith.addf %add3A_187, %select_n3A_212 : vector<16xf32>
    %scan3A_214 = arith.constant 10 : i32
    %add3A_215 = arith.addf %scan3A_83, %scan3A_93 : vector<16xf32>
    %mul3A_216 = arith.constant 2.000000e+00 : f32
    %mul3A_217 = vector.broadcast %mul3A_216 : f32 to vector<16xf32>
    %mul3A_218 = arith.mulf %mul3A_217, %add3A_215 : vector<16xf32>
    %add3A_219 = arith.addf %add3A_151, %add3A_213 : vector<16xf32>
    %add3A_220 = arith.addf %mul3A_218, %add3A_219 : vector<16xf32>
    %swap3A = arith.constant 0 : index
    %swap3A_221 = tpu.vector_load %arg9[%swap3A] {strides = array<i32>} : memref<16xf32, #tpu.memory_space<vmem>>, vector<16xf32>,
    %swap3A_222 = vector.shape_cast %swap3A_221 : vector<16xf32> to vector<16xf32>
    %swap3A_223 = vector.shape_cast %add3A_220 : vector<16xf32> to vector<16xf32>
    tpu.vector_store %arg9[%swap3A], %swap3A_223 {strides = array<i32>} : memref<16xf32, #tpu.memory_space<vmem>>, vector<16xf32>,
    "tpu.region"() ({
      %run_scoped3A = tpu.sem_alloc : memref<!tpu.dma_semaphore, #tpu.memory_space<semaphore_mem>>
      %dma_start3A_224 = arith.constant 0 : i32
      %dma_start3A_225 = tpu.memref_slice %arg5[%add3A, %dma_start3A_224] : memref<32x16xf32, #tpu.memory_space<hbm>> -> memref<1x16xf32, #tpu.memory_space<hbm>>
      %dma_start3A_226 = tpu.memref_squeeze %dma_start3A_225 : memref<1x16xf32, #tpu.memory_space<hbm>> -> memref<16xf32, #tpu.memory_space<hbm>>
      %dma_start3A_227 = arith.constant 0 : i32
      %dma_start3A_228 = tpu.memref_slice %arg5[%add3A, %dma_start3A_227] : memref<32x16xf32, #tpu.memory_space<hbm>> -> memref<1x16xf32, #tpu.memory_space<hbm>>
      %dma_start3A_229 = tpu.memref_squeeze %dma_start3A_228 : memref<1x16xf32, #tpu.memory_space<hbm>> -> memref<16xf32, #tpu.memory_space<hbm>>
      tpu.enqueue_dma source(%arg9 : memref<16xf32, #tpu.memory_space<vmem>>) target(%dma_start3A_229 : memref<16xf32, #tpu.memory_space<hbm>>) target_semaphore(%run_scoped3A : memref<!tpu.dma_semaphore, #tpu.memory_space<semaphore_mem>>)
      %dma_wait3A_230 = arith.constant 0 : i32
      %dma_wait3A_231 = tpu.memref_slice %arg5[%add3A, %dma_wait3A_230] : memref<32x16xf32, #tpu.memory_space<hbm>> -> memref<1x16xf32, #tpu.memory_space<hbm>>
      %dma_wait3A_232 = tpu.memref_squeeze %dma_wait3A_231 : memref<1x16xf32, #tpu.memory_space<hbm>> -> memref<16xf32, #tpu.memory_space<hbm>>
      %dma_wait3A_233 = arith.constant 0 : i32
      %dma_wait3A_234 = tpu.memref_slice %arg5[%add3A, %dma_wait3A_233] : memref<32x16xf32, #tpu.memory_space<hbm>> -> memref<1x16xf32, #tpu.memory_space<hbm>>
      %dma_wait3A_235 = tpu.memref_squeeze %dma_wait3A_234 : memref<1x16xf32, #tpu.memory_space<hbm>> -> memref<16xf32, #tpu.memory_space<hbm>>
      tpu.wait_dma2 semaphore(%run_scoped3A : memref<!tpu.dma_semaphore, #tpu.memory_space<semaphore_mem>>) src(%arg9 : memref<16xf32, #tpu.memory_space<vmem>>) dst(%dma_wait3A_235 : memref<16xf32, #tpu.memory_space<hbm>>)
      tpu.yield
    }) : () -> ()
    return
  }
}

</mosaic_0001>

<sc_bundles>
// kernel: kernel.3.cloned.1.call-start
scs
__scs_entry_jumppad:
0x0: {  	(pc) =	sbr.rel $0x88, $3  }
0x1: {  	(tag) =	ssettag $0x0;
	lr =	simm.s32 $0x1  }
0x2: {  	[smem:$0x3F97] =	sst lr;
	_ =	strace $0xD0000000  }
0x3: {  	_ = 	snop  }
0x4: {  	_ = 	snop  }
0x5: {  	_ = 	snop  }
0x6: {  	_ = 	snop  }
0x7: {  	_ = 	snop  }
__scs_overlays_trampoline_lowered:
0x8: {  	[smem:$0x3FA6] =	sst s0  }
0x9: {  	[smem:$0x3FA7] =	sst s1  }
0xa: {  	[smem:$0x3FA8] =	sst s2  }
0xb: {  	[smem:$0x3FA9] =	sst s3  }
0xc: {  	[smem:$0x3FAA] =	sst s4  }
0xd: {  	[smem:$0x3FAB] =	sst s5  }
0xe: {  	[smem:$0x3FAC] =	sst s6  }
0xf: {  	[smem:$0x3FAD] =	sst s7  }
0x10: {  	[smem:$0x3FAE] =	sst s8  }
0x11: {  	[smem:$0x3FAF] =	sst s9;
	s0 =	simm.s32 @!p0 $0x0  }
0x12: {  	s1 =	sld [smem:$0x3F95];
	s0 =	simm.s32 @p0 $0x1  }
0x13: {  	[smem:$0x3FB0] =	sst s0;
	s0 =	simm.s32 @!p1 $0x0  }
0x14: {  	s2 =	sld [smem:$0x3F94];
	s0 =	simm.s32 @p1 $0x1  }
0x15: {  	[smem:$0x3FB1] =	sst s0;
	s0 =	simm.s32 @!p2 $0x0  }
0x16: {  	s3 =	sld [smem:$0x3FDB];
	s0 =	simm.s32 @p2 $0x1  }
0x17: {  	s4 =	simm.s32 $0x1BF5;
	[smem:$0x3FB3] =	sst s0  }
0x18: {  	s0 =	sld [smem:$0x3F96];
	_ =	swait.ge [sflag:s4], $0x0  }
0x19: {  	s7 =	sld [smem:$0x3F97]  }
0x1a: {  	s8 =	sadd.s32 $0xFFFFE003, lr  }
0x1b: {  	s9 =	sadd.s32 $0xFFFFFEF7, lr;
	s5 =	simm.s32 $0xFFFFFFFF;
	p2 =	slt.u32 s8, $0xFFFFF086  }
0x1c: {  	p1 =	slt.u32 s9, $0xF7A;
	s5 =	simm.s32 @!p2 $0x0  }
0x1d: {  	s5 =	simm.s32 @p1 $0x1;
	p0 =	seq.s32 s7, s2  }
0x1e: {  	s7 =	smul.u32 @!p0 $0xF7A, s2;
	p2 =	seq.s32 @!p0 s5, $0x0  }
0x1f: {  	s9 =	smul.u32 $0xF7A, s1;
	s8 =	simm.s32 @!p0 $0x1BF5;
	p2 =	por !p2, p0  }
0x20: {  	[sflag:s8] =	ssyncset.s32 @!p0 $0xFFFFF086;
	s6 =	sadd.s32 @!p0 s3, s7;
	s7 =	simm.s32 @!p0 $0x108  }
0x21: {  	s3 =	sadd.s32 s3, s9;
	s6 =	sadd.s32 @!p0 $0x88, s6;
	s7 =	simm.s32 @p2 $0x1082  }
0x22: {  	[simem:s7], [sflag:s8] =	dma.local @!p0 [hbm:s6], $0xF7A  }
0x23: {  	s9 =	sor.u32 $0xD0000000, s2;
	s6 =	simm.s32 $0x108;
	_ =	swait.ge @!p0 [sflag:s8], $0x0  }
0x24: {  	s3 =	sadd.s32 $0x88, s3;
	s6 =	simm.s32 @!p1 $0x1082;
	[sflag:s4] =	ssyncset.s32 $0xFFFFF086  }
0x25: {  	[simem:s6], [sflag:s4] =	dma.local [hbm:s3], $0xF7A  }
0x26: {  	[smem:$0x3F97] =	sst s1;
	(tag) =	ssettag s2;
	_ =	strace s9  }
0x27: {  	s1 =	sld [smem:$0x3FA7]  }
0x28: {  	s2 =	sld [smem:$0x3FA8]  }
0x29: {  	s4 =	sld [smem:$0x3FAA]  }
0x2a: {  	p0 =	seq.s32 s5, $0x0;
	s5 =	sld [smem:$0x3FAB]  }
0x2b: {  	s6 =	sld [smem:$0x3FAC]  }
0x2c: {  	s7 =	sld [smem:$0x3FAD]  }
0x2d: {  	s3 =	simm.s32 $0x108;
	s8 =	sld [smem:$0x3FAE]  }
0x2e: {  	s3 =	simm.s32 @!p0 $0x1082;
	s9 =	sld [smem:$0x3FAF]  }
0x2f: {  	lr =	sadd.s32 s0, s3;
	s0 =	sld [smem:$0x3FA6]  }
0x30: {  	s3 =	sld [smem:$0x3FA9]  }
0x31: {  	[smem:$0x3FB2] =	sst s10  }
0x32: {  	s10 =	sld [smem:$0x3FB0];
	_ =	sdelay $0x3  }
0x33: {  	p0 =	seq.s32 s10, $0x1;
	s10 =	sld [smem:$0x3FB2];
	_ =	sdelay $0x3  }
0x34: {  	[smem:$0x3FB2] =	sst s10  }
0x35: {  	s10 =	sld [smem:$0x3FB1];
	_ =	sdelay $0x3  }
0x36: {  	p1 =	seq.s32 s10, $0x1;
	s10 =	sld [smem:$0x3FB2];
	_ =	sdelay $0x3  }
0x37: {  	[smem:$0x3FB2] =	sst s10  }
0x38: {  	s10 =	sld [smem:$0x3FB3]  }
0x39: {  	_ = 	snop;
	(pc) =	sbr.ind lr, $3  }
0x3a: {  	_ = 	snop  }
0x3b: {  	_ = 	snop  }
0x3c: {  	p2 =	seq.s32 s10, $0x1;
	s10 =	sld [smem:$0x3FB2]  }
0x3d: {  	_ =	shalt  }
0x3e: {  	_ =	shalt  }
0x3f: {  	_ =	shalt  }
0x40: {  	_ =	shalt  }
0x41: {  	_ =	shalt  }
0x42: {  	_ =	shalt  }
0x43: {  	_ =	shalt  }
0x44: {  	_ =	shalt  }
0x45: {  	_ =	shalt  }
0x46: {  	_ =	shalt  }
0x47: {  	_ =	shalt  }
0x48: {  	_ =	shalt  }
0x49: {  	_ =	shalt  }
0x4a: {  	_ =	shalt  }
0x4b: {  	_ =	shalt  }
0x4c: {  	_ =	shalt  }
0x4d: {  	_ =	shalt  }
0x4e: {  	_ =	shalt  }
0x4f: {  	_ =	shalt  }
0x50: {  	_ =	shalt  }
0x51: {  	_ =	shalt  }
0x52: {  	_ =	shalt  }
0x53: {  	_ =	shalt  }
0x54: {  	_ =	shalt  }
0x55: {  	_ =	shalt  }
0x56: {  	_ =	shalt  }
0x57: {  	_ =	shalt  }
0x58: {  	_ =	shalt  }
0x59: {  	_ =	shalt  }
0x5a: {  	_ =	shalt  }
0x5b: {  	_ =	shalt  }
0x5c: {  	_ =	shalt  }
0x5d: {  	_ =	shalt  }
0x5e: {  	_ =	shalt  }
0x5f: {  	_ =	shalt  }
0x60: {  	_ =	shalt  }
0x61: {  	_ =	shalt  }
0x62: {  	_ =	shalt  }
0x63: {  	_ =	shalt  }
0x64: {  	_ =	shalt  }
0x65: {  	_ =	shalt  }
0x66: {  	_ =	shalt  }
0x67: {  	_ =	shalt  }
0x68: {  	_ =	shalt  }
0x69: {  	_ =	shalt  }
0x6a: {  	_ =	shalt  }
0x6b: {  	_ =	shalt  }
0x6c: {  	_ =	shalt  }
0x6d: {  	_ =	shalt  }
0x6e: {  	_ =	shalt  }
0x6f: {  	_ =	shalt  }
0x70: {  	_ =	shalt  }
0x71: {  	_ =	shalt  }
0x72: {  	_ =	shalt  }
0x73: {  	_ =	shalt  }
0x74: {  	_ =	shalt  }
0x75: {  	_ =	shalt  }
0x76: {  	_ =	shalt  }
0x77: {  	_ =	shalt  }
0x78: {  	_ =	shalt  }
0x79: {  	_ =	shalt  }
0x7a: {  	_ =	shalt  }
0x7b: {  	_ =	shalt  }
0x7c: {  	_ =	shalt  }
0x7d: {  	_ =	shalt  }
0x7e: {  	_ =	shalt  }
0x7f: {  	_ =	shalt  }
0x80: {  	_ =	shalt  }
0x81: {  	_ =	shalt  }
0x82: {  	_ =	shalt  }
0x83: {  	_ =	shalt  }
0x84: {  	_ =	shalt  }
0x85: {  	_ =	shalt  }
0x86: {  	_ =	shalt  }
0x87: {  	_ =	shalt  }
.Lfunc_end0:
.L_simem_size_0:
called_computation_lowered:
.L_overlay_start_0:
0x88: {  	s2 =	sld [smem:$0x3FD9]  }
0x89: {  	s3 =	sld [smem:$0x3FFE];
	_ =	sdelay $0x1  }
0x8a: {  	s1 =	srdreg.scid  }
0x8b: {  	s0 =	sand.u32 $0x1, s1  }
0x8c: {  	s17 =	sshll.u32 s0, $0xA;
	s2 =	sadd.s32 s3, s2  }
0x8d: {  	s2 =	sadd.s32 s2, s17  }
0x8e: {  	[smem:$0x3FBE] =	sst s2  }
0x8f: {  	_ = 	snop  }
0x90: {  	s2 =	sld [smem:$0x3FC9]  }
0x91: {  	s18 =	sld [smem:$0x3FC8];
	(tm) =	ssettm $0x1  }
0x92: {  	s4 =	sld [smem:$0x3FFB];
	_ =	sdelay $0x3  }
0x93: {  	_ =	strace s4  }
0x94: {  	s4 =	sld [smem:$0x3FFC];
	_ =	sdelay $0x3  }
0x95: {  	_ =	strace s4  }
0x96: {  	s4 =	sld [smem:$0x3FFD];
	_ =	sdelay $0x3  }
0x97: {  	_ =	strace s4  }
0x98: {  	_ =	strace $0x8FFFFFFF  }
0x99: {  	s19 =	sld [smem:$0x3FDB];
	_ =	sdelay $0x1  }
0x9a: {  	s5 =	simm.s32 $_scs_section_size  }
0x9b: {  	s6 =	simm.s32 $_size__tile_overlayer_lowered;
	s7 =	simm.s32 $_tile_overlayer_lowered  }
0x9c: {  	s22 =	simm.s32 $0x1BFF;
	s21 =	sshll.u32 s7, $0x1;
	s4 =	sadd.s32 s5, s19  }
0x9d: {  	s8 =	simm.s32 $0x0;
	s20 =	sshll.u32 s6, $0x1;
	s6 =	sadd.s32 s21, s4  }
0x9e: {  	[timem:s8], [sflag:s22] =	dma.local [hbm:s6], s20  }
0x9f: {  	_ =	swait.ge [sflag:s22], s20  }
0xa0: {  	s5 =	ssub.s32 $0x0, s20;
	[sflag:s22] =	ssyncset.done $0x0  }
0xa1: {  	[sflag:s22] =	ssyncadd.s32 s5;
	_ =	sdelay $0x1  }
0xa2: {  	s23 =	simm.s32 $0x1B8B  }
0xa3: {  	_ =	swait.ge [sflag:s23], $0x1  }
0xa4: {  	[sflag:s23] =	ssyncset.done $0x0  }
0xa5: {  	s25 =	simm.s32 $0x1B8E;
	s24 =	sld [smem:$0x3FFE];
	[sflag:s23] =	ssyncadd.s32 $0xFFFFFFFF  }
0xa6: {  	s26 =	simm.s32 $execute0_lowered;
	[smem:$0x3FD2] =	sst s25  }
0xa7: {  	s6 =	sshll.u32 s26, $0x1;
	_ =	strace $0x80000046;
	[dreg:$0x1] =	wrdreg $0xFFFFFFFF  }
0xa8: {  	s28 =	simm.s32 $_size_execute0_lowered;
	s4 =	sadd.s32 s4, s6;
	[dreg:$0x0] =	wrdreg $0x0  }
0xa9: {  	s6 =	sshll.u32 s28, $0x1;
	[dreg:$0x2] =	wrdreg s4  }
0xaa: {  	[dreg:$0x3] =	wrdreg s6  }
0xab: {  	[dreg:$0x4] =	wrdreg $0xC0  }
0xac: {  	_ =	task [dreg:s8], $0x5FFFF  }
0xad: {  	[dreg:$0x1] =	wrdreg $0xFFFFFFFF  }
0xae: {  	[dreg:$0x0] =	wrdreg $0x60  }
0xaf: {  	[dreg:$0x2] =	wrdreg s2  }
0xb0: {  	[dreg:$0x3] =	wrdreg s18  }
0xb1: {  	[dreg:$0x4] =	wrdreg s24  }
0xb2: {  	[dreg:$0x5] =	wrdreg $0x9  }
0xb3: {  	_ =	task.clear_ibuf [dreg:s8], $0x6FFFF;
	_ =	strace $0x90000046  }
0xb4: {  	s29 =	simm.s32 $0x9;
	_ =	strace $0x80000048  }
0xb5: {  	_ =	swait.ge [sflag:s29], $0x1  }
0xb6: {  	[sflag:s29] =	ssyncadd.s32 $0xFFFFFFFF  }
0xb7: {  	_ =	strace $0x90000048  }
0xb8: {  	_ =	sfence  }
0xb9: {  	s30 =	sld [smem:$0x0];
	_ =	sdelay $0x2  }
0xba: {  	s31 =	sshll.u32 s1, $0xD;
	s1 =	sshrl.u32 s1, $0x2  }
0xbb: {  	s3 =	sand.u32 $0x4000, s31;
	s1 =	sadd.s32 s1, s30  }
0xbc: {  	s0 =	sor.u32 s3, s0;
	s1 =	sshll.u32 s1, $0x11  }
0xbd: {  	s0 =	sor.u32 s1, s0  }
0xbe: {  	s0 =	sadd.s32 $0x8F2B, s0  }
0xbf: {  	[sflag:s0] =	ssyncadd.remote.s32 $0x1  }
0xc0: {  	_ =	sfence.sel $0xFFFF  }
0xc1: {  	[dreg:$0x0] =	wrdreg $0xFFFFFFFF;
	(pc) =	sbr.abs _section_cstart, $3  }
0xc2: {  	[dreg:$0x1] =	wrdreg $0xFFFFFFFF  }
0xc3: {  	_ =	task.clear_ibuf [dreg:s8], $0x2FFFF;
	_ =	strace $0x9FFFFFFF  }
0xc4: {  	(tm) =	ssettm $0x7FFFFFFF  }
0xc5: {  	_ =	shalt  }
tec
execute0_lowered:
.L_overlay_start_1:
0x0: {  	(tag) =	ssettag $0x1  }
0x1: {  	s1 =	rddreg [dreg:$0x0]  }
0x2: {  	s3 =	rddreg [dreg:$0x1];
	s0 =	srdreg.scid  }
0x3: {  	s12 =	stileid.u32;
	s2 =	rddreg [dreg:$0x2]  }
0x4: {  	s4 =	simm.s32 $0x0;
	s13 =	simm.s32 $0x1;
	s14 =	simm.s32 $0x280  }
0x5: {  	s17 =	simm.s32 $0x140;
	s20 =	simm.s32 $0x680;
	s21 =	simm.s32 $0x1380  }
0x6: {  	s22 =	simm.s32 $0x900;
	s23 =	simm.s32 $0x1600;
	s24 =	simm.s32 $0xB80  }
0x7: {  	s25 =	simm.s32 $0x1880;
	s26 =	simm.s32 $0x1A00;
	s28 =	simm.s32 $0x2  }
0x8: {  	s0 =	sand.u32 $0x1, s0;
	s5 =	sshll.u32 s12, $0x1;
	s31 =	smul.u32 $0x500, s12  }
0x9: {  	s5 =	sor.u32 s0, s5;
	s6 =	ssub.s32 $0x2, s0;
	s0 =	smul.u32 $0x280, s0  }
0xa: {  	s29 =	simm.s32 $0x0;
	[smem:$0x7FF] =	sst s4;
	s7 =	smul.u32 $0x1A0, s5  }
0xb: {  	v0 =	vlaneseq.u32;
	s8 =	sshll.u32 s5, $0x4;
	s9 =	sshrl.u32 s6, $0x1;
	s5 =	smul.u32 $0xA0, s5  }
0xc: {  	v0 =	vmul.u32 $0xFFFFFFFF, v0;
	_ =	strace $0x80000047;
	s10 =	sadd.s32 s8, s2;
	s11 =	ssub.s32 s6, s9  }
0xd: {  	s12 =	sadd.s32 s0, s31;
	s15 =	sadd.s32 $0x80, s5;
	s16 =	sadd.s32 $0x90, s5  }
0xe: {  	v0 =	vadd.s32 $0x1388, v0;
	s6 =	sadd.s32 s2, s7;
	s7 =	sor.u32 $0x10, s5;
	s8 =	sadd.s32 $0x20, s5;
	v1 =	vmov s15;
	v2 =	vmov s16  }
0xf: {  	s9 =	sadd.s32 $0x30, s5;
	s10 =	sadd.s32 $0x3400, s10;
	s11 =	smax.u32 s11, $0x1;
	vm0 =	vlt.u32 v2, v0;
	vm1 =	vlt.u32 v1, v0  }
.LBB2_1:
0x10: {  	[tilespmem:s4], [sflag:$0x1] =	stream.linear.gather [hbm4b:s6+s4], $0xD00, $0x38;
	[tilespmem:$0x1A80] =	vst v63  }
0x11: {  	_ =	swait.ge [sflag:s13], $0xD00  }
0x12: {  	[sflag:s13] =	ssyncset.done $0x0  }
0x13: {  	s0 =	simm.s32 $0xD00;
	[sflag:s13] =	ssyncadd.s32 $0xFFFFF300  }
0x14: {  	[tilespmem:s0], [sflag:$0x1] =	stream.indirect.gather [hbm4b:s1+s14], $0x1, s4, s14, $0xb8;
	[tilespmem:$0x1A80] =	vst v63  }
0x15: {  	s19 =	simm.s32 $0xF80  }
0x16: {  	[tilespmem:s19], [sflag:$0x1] =	stream.indirect.gather [hbm4b:s1+s14], $0x1, s14, s14, $0xb8;
	[tilespmem:$0x1A80] =	vst v63  }
0x17: {  	s30 =	simm.s32 $0x500;
	s2 =	simm.s32 $0x1200  }
0x18: {  	[tilespmem:s2], [sflag:$0x1] =	stream.indirect.gather [hbm4b:s1+s17], $0x1, s30, s17, $0xb8;
	[tilespmem:$0x1A80] =	vst v63  }
0x19: {  	_ = 	snop  }
0x1a: {  	[tilespmem:s21], [sflag:$0x1] =	stream.indirect.gather [hbm4b:s3+s14], $0x1, s20, s14, $0xb8;
	[tilespmem:$0x1A80] =	vst v63  }
0x1b: {  	_ = 	snop  }
0x1c: {  	[tilespmem:s23], [sflag:$0x1] =	stream.indirect.gather [hbm4b:s3+s14], $0x1, s22, s14, $0xb8;
	[tilespmem:$0x1A80] =	vst v63  }
0x1d: {  	_ = 	snop  }
0x1e: {  	[tilespmem:s25], [sflag:$0x1] =	stream.indirect.gather [hbm4b:s3+s17], $0x1, s24, s17, $0xb8;
	[tilespmem:$0x1A80] =	vst v63  }
0x1f: {  	_ =	swait.ge [sflag:s13], $0x280  }
0x20: {  	[sflag:s13] =	ssyncset.done $0x0  }
0x21: {  	[sflag:s13] =	ssyncadd.s32 $0xFFFFFD80  }
0x22: {  	_ =	swait.ge [sflag:s13], $0x280  }
0x23: {  	[sflag:s13] =	ssyncset.done $0x0  }
0x24: {  	[sflag:s13] =	ssyncadd.s32 $0xFFFFFD80  }
0x25: {  	_ =	swait.ge [sflag:s13], $0x140  }
0x26: {  	[sflag:s13] =	ssyncset.done $0x0  }
0x27: {  	[sflag:s13] =	ssyncadd.s32 $0xFFFFFEC0  }
0x28: {  	_ =	swait.ge [sflag:s13], $0x280  }
0x29: {  	[sflag:s13] =	ssyncset.done $0x0  }
0x2a: {  	[sflag:s13] =	ssyncadd.s32 $0xFFFFFD80  }
0x2b: {  	_ =	swait.ge [sflag:s13], $0x280  }
0x2c: {  	[sflag:s13] =	ssyncset.done $0x0  }
0x2d: {  	[sflag:s13] =	ssyncadd.s32 $0xFFFFFD80  }
0x2e: {  	_ =	swait.ge [sflag:s13], $0x140  }
0x2f: {  	[sflag:s13] =	ssyncset.done $0x0  }
0x30: {  	s15 =	simm.s32 $0xD20;
	[sflag:s13] =	ssyncadd.s32 $0xFFFFFEC0  }
0x31: {  	s16 =	simm.s32 $0x13A0;
	v1 =	vld [tilespmem:s15+$0xFFFFFFE0]  }
0x32: {  	v2 =	vld [tilespmem:s16+$0xFFFFFFE0]  }
0x33: {  	v3 =	vld [tilespmem:s15+$0xFFFFFFF0]  }
0x34: {  	v4 =	vld [tilespmem:s16+$0xFFFFFFF0]  }
0x35: {  	v5 =	vld [tilespmem:s15+$0x0]  }
0x36: {  	v6 =	vld [tilespmem:s16+$0x0];
	_ =	sdelay $0x1  }
0x37: {  	v8 =	vld [tilespmem:s16+$0x10];
	v1 =	vsub.f32 v1, v2  }
0x38: {  	s18 =	simm.s32 $0xD60;
	v2 =	vld [tilespmem:s15+$0x10]  }
0x39: {  	s2 =	simm.s32 $0x13E0;
	v9 =	vld [tilespmem:s18+$0xFFFFFFE0];
	v3 =	vsub.f32 v3, v4;
	v7 =	vmul.f32 v1, v1  }
0x3a: {  	p0 =	slt.u32 s12, $0x4E20;
	v10 =	vld [tilespmem:s2+$0xFFFFFFE0];
	v5 =	vsub.f32 v5, v6  }
0x3b: {  	v4 =	vld [tilespmem:s18+$0xFFFFFFF0];
	s15 =	sadd.s32 $0x10, s12;
	v1 =	vimm.f32 $0.0e+00;
	v12 =	vmul.f32 v3, v3;
	v11 =	vpsel !p0, $0x0, v7  }
0x3c: {  	p5 =	slt.u32 s15, $0x4E20;
	v7 =	vld [tilespmem:s2+$0xFFFFFFF0];
	v11 =	vadd.f32 v11, v1  }
0x3d: {  	s19 =	sadd.s32 $0x20, s12;
	v6 =	vld [tilespmem:s2+$0x0];
	v5 =	vmul.f32 v5, v5;
	v12 =	vpsel !p5, $0x0, v12;
	v8 =	vsub.f32 v2, v8  }
0x3e: {  	p6 =	slt.u32 s19, $0x4E20;
	v3 =	vld [tilespmem:s18+$0x0];
	v11 =	vadd.f32 v12, v11  }
0x3f: {  	s31 =	smov.u32 s12;
	s30 =	sadd.s32 $0x30, s12;
	v9 =	vsub.f32 v9, v10;
	v63 =	vpsel !p6, $0x0, v5;
	v5 =	vld [tilespmem:s2+$0x10];
	v10 =	vmul.f32 v8, v8  }
0x40: {  	p1 =	slt.u32 s30, $0x4E20;
	s16 =	simm.s32 $0xDA0;
	s15 =	simm.s32 $0x4;
	v2 =	vld [tilespmem:s18+$0x10];
	v8 =	vadd.f32 v63, v11  }
.LBB2_2:
0x41: {  	v11 =	vld [tilespmem:s16+$0xFFFFFFE0];
	v9 =	vmul.f32 v9, v9;
	v7 =	vsub.f32 v4, v7;
	s2 =	sadd.s32 $0x40, s2;
	v4 =	vpsel !p1, $0x0, v10;
	s31 =	sadd.s32 $0x40, s31;
	s0 =	simm.s32 $0x1630  }
0x42: {  	s15 =	sadd.s32 $0x4, s15;
	v10 =	vld [tilespmem:s2+$0xFFFFFFE0];
	p1 =	slt.u32 s31, $0x4E20;
	v8 =	vadd.f32 v4, v8  }
0x43: {  	p0 =	slt.u32 s15, $0x24;
	s18 =	sadd.s32 $0x10, s31;
	v4 =	vld [tilespmem:s16+$0xFFFFFFF0];
	v9 =	vpsel !p1, $0x0, v9;
	v12 =	vmul.f32 v7, v7;
	v6 =	vsub.f32 v3, v6  }
.Ltmp0:
0x44: {  	p1 =	slt.u32 s18, $0x4E20;
	v7 =	vld [tilespmem:s2+$0xFFFFFFF0];
	v8 =	vadd.f32 v9, v8;
	(pc) =	sbr.rel @p0 .LBB2_2-.Ltmp0, $4  }
0x45: {  	s18 =	sadd.s32 $0x20, s31;
	v3 =	vld [tilespmem:s16+$0x0];
	v9 =	vpsel !p1, $0x0, v12;
	v12 =	vmul.f32 v6, v6;
	v5 =	vsub.f32 v2, v5  }
0x46: {  	p1 =	slt.u32 s18, $0x4E20;
	v6 =	vld [tilespmem:s2+$0x0];
	v8 =	vadd.f32 v9, v8  }
0x47: {  	s18 =	sadd.s32 $0x30, s31;
	v9 =	vsub.f32 v11, v10;
	v2 =	vld [tilespmem:s16+$0x10];
	v11 =	vpsel !p1, $0x0, v12;
	v10 =	vmul.f32 v5, v5  }
0x48: {  	s16 =	sadd.s32 $0x40, s16;
	p1 =	slt.u32 s18, $0x4E20;
	v5 =	vld [tilespmem:s2+$0x10];
	v8 =	vadd.f32 v11, v8  }
0x49: {  	s30 =	simm.s32 $0x0  }
0x4a: {  	v14 =	vld [tilespmem:s0+$0xFFFFFFE0];
	s2 =	sand.u32 $0x3C0, s30  }
0x4b: {  	v11 =	vld [tilespmem:s2+$0xF80]  }
0x4c: {  	s15 =	simm.s32 $0xFB0;
	v12 =	vld [tilespmem:s2+$0x1600]  }
0x4d: {  	v13 =	vld [tilespmem:s15+$0xFFFFFFE0]  }
0x4e: {  	v4 =	vsub.f32 v4, v7;
	v7 =	vpsel !p1, $0x0, v10;
	v10 =	vld [tilespmem:s15+$0xFFFFFFF0]  }
0x4f: {  	v9 =	vmul.f32 v9, v9;
	s2 =	sadd.s32 $0x40, s31;
	v3 =	vsub.f32 v3, v6;
	v6 =	vld [tilespmem:s0+$0xFFFFFFF0]  }
0x50: {  	v7 =	vadd.f32 v7, v8;
	p0 =	slt.u32 s2, $0x4E20  }
0x51: {  	s31 =	simm.s32 $0x40;
	v8 =	vpsel !p0, $0x0, v9;
	v2 =	vsub.f32 v2, v5;
	v5 =	vld [tilespmem:s0+$0x0];
	v9 =	vsub.f32 v11, v12  }
0x52: {  	v4 =	vmul.f32 v4, v4;
	s16 =	sadd.s32 $0x10, s2;
	s18 =	sadd.s32 $0x20, s2;
	s19 =	sand.u32 $0x3C0, s31;
	v3 =	vmul.f32 v3, v3;
	v11 =	vld [tilespmem:s15+$0x0]  }
0x53: {  	p1 =	slt.u32 s16, $0x4E20;
	p2 =	slt.u32 s18, $0x4E20;
	v62 =	vld [tilespmem:s19+$0xF80];
	s18 =	sadd.s32 $0x0, s12;
	v7 =	vadd.f32 v8, v7;
	v8 =	vsub.f32 v13, v14;
	v9 =	vmul.f32 v9, v9  }
0x54: {  	v63 =	vld [tilespmem:s19+$0x1600];
	s0 =	simm.s32 $0x1670;
	v4 =	vpsel !p1, $0x0, v4;
	p3 =	slt.u32 s18, $0x4E20;
	v3 =	vpsel !p2, $0x0, v3;
	v10 =	vsub.f32 v10, v6  }
0x55: {  	s16 =	sadd.s32 $0x10, s18;
	v4 =	vadd.f32 v4, v7;
	s15 =	sadd.s32 $0x30, s2;
	s2 =	simm.s32 $0xFF0;
	v6 =	vld [tilespmem:s0+$0xFFFFFFE0];
	v8 =	vmul.f32 v8, v8;
	v9 =	vpsel !p3, $0x0, v9  }
0x56: {  	s19 =	sadd.s32 $0x20, s18;
	p5 =	slt.u32 s16, $0x4E20;
	v7 =	vmul.f32 v2, v2;
	v2 =	vld [tilespmem:s2+$0xFFFFFFE0];
	v10 =	vmul.f32 v10, v10;
	v9 =	vadd.f32 v9, v1  }
0x57: {  	p6 =	slt.u32 s19, $0x4E20;
	p4 =	slt.u32 s15, $0x4E20;
	v4 =	vadd.f32 v3, v4;
	v3 =	vld [tilespmem:s2+$0xFFFFFFF0];
	v8 =	vpsel !p5, $0x0, v8;
	v11 =	vsub.f32 v11, v5  }
0x58: {  	v7 =	vpsel !p4, $0x0, v7;
	v10 =	vpsel !p6, $0x0, v10;
	v5 =	vld [tilespmem:s0+$0xFFFFFFF0];
	v8 =	vadd.f32 v8, v9  }
0x59: {  	s18 =	sadd.s32 $0x30, s18;
	s16 =	simm.s32 $0x80;
	s15 =	simm.s32 $0x4;
	v1 =	vadd.f32 v7, v4;
	v7 =	vsub.f32 v62, v63;
	v4 =	vld [tilespmem:s2+$0x0];
	v9 =	vmul.f32 v11, v11  }
.LBB2_4:
0x5a: {  	s19 =	sand.u32 $0x3C0, s16;
	v11 =	vld [tilespmem:s0+$0x0];
	v8 =	vadd.f32 v10, v8;
	p0 =	slt.u32 s18, $0x4E20  }
0x5b: {  	s15 =	sadd.s32 $0x4, s15;
	s18 =	sadd.s32 s31, s12;
	v10 =	vld [tilespmem:s19+$0xF80];
	v7 =	vmul.f32 v7, v7;
	v6 =	vsub.f32 v2, v6;
	v2 =	vpsel !p0, $0x0, v9;
	p0 =	por $0x1, $0x1  }
0x5c: {  	s2 =	sadd.s32 $0x40, s2;
	p1 =	slt.u32 s15, $0x24;
	p2 =	slt.u32 s18, $0x4E20;
	v9 =	vld [tilespmem:s19+$0x1600];
	v8 =	vadd.f32 v2, v8  }
.Ltmp1:
0x5d: {  	s0 =	sadd.s32 $0x40, s0;
	s19 =	sadd.s32 $0x10, s18;
	v2 =	vld [tilespmem:s2+$0xFFFFFFE0];
	v7 =	vpsel !p2, $0x0, v7;
	v12 =	vmul.f32 v6, v6;
	v5 =	vsub.f32 v3, v5;
	(pc) =	sbr.rel @p1 .LBB2_4-.Ltmp1, $4  }
0x5e: {  	s31 =	smov.u32 s16;
	p2 =	slt.u32 s19, $0x4E20;
	v6 =	vld [tilespmem:s0+$0xFFFFFFE0];
	v7 =	vadd.f32 v7, v8  }
0x5f: {  	s19 =	sadd.s32 $0x20, s18;
	v3 =	vld [tilespmem:s2+$0xFFFFFFF0];
	v8 =	vpsel !p2, $0x0, v12;
	v12 =	vmul.f32 v5, v5;
	v11 =	vsub.f32 v4, v11  }
0x60: {  	p2 =	slt.u32 s19, $0x4E20;
	v5 =	vld [tilespmem:s0+$0xFFFFFFF0];
	v8 =	vadd.f32 v8, v7  }
0x61: {  	s16 =	sadd.s32 $0x40, s16;
	s18 =	sadd.s32 $0x30, s18;
	v7 =	vsub.f32 v10, v9;
	v4 =	vld [tilespmem:s2+$0x0];
	v10 =	vpsel !p2, $0x0, v12;
	v9 =	vmul.f32 v11, v11  }
0x62: {  	v11 =	vld [tilespmem:s0+$0x0];
	v8 =	vadd.f32 v10, v8;
	p1 =	slt.u32 s18, $0x4E20  }
0x63: {  	s19 =	sadd.s32 s31, s12;
	v7 =	vmul.f32 v7, v7;
	v2 =	vsub.f32 v2, v6;
	v63 =	vpsel !p1, $0x0, v9  }
0x64: {  	p3 =	slt.u32 s19, $0x4E20;
	v6 =	vadd.f32 v63, v8  }
0x65: {  	s2 =	sadd.s32 $0x10, s19;
	v7 =	vpsel !p3, $0x0, v7;
	v2 =	vmul.f32 v2, v2;
	v3 =	vsub.f32 v3, v5  }
0x66: {  	p4 =	slt.u32 s2, $0x4E20;
	v5 =	vadd.f32 v7, v6  }
0x67: {  	s31 =	sadd.s32 $0x20, s19;
	v2 =	vpsel !p4, $0x0, v2;
	v3 =	vmul.f32 v3, v3;
	v4 =	vsub.f32 v4, v11  }
0x68: {  	p5 =	slt.u32 s31, $0x4E20;
	v2 =	vadd.f32 v2, v5  }
0x69: {  	s0 =	sadd.s32 $0x30, s19;
	v3 =	vpsel !p5, $0x0, v3;
	v4 =	vmul.f32 v4, v4  }
0x6a: {  	p6 =	slt.u32 s0, $0x4E20;
	v2 =	vadd.f32 v3, v2  }
0x6b: {  	v4 =	vpsel !p6, $0x0, v4  }
0x6c: {  	v3 =	vimm.f32 $0.0e+00;
	v2 =	vadd.f32 v4, v2  }
.LBB2_6:
0x6d: {  	v4 =	vld [tilespmem:s30+$0x1200]  }
0x6e: {  	v5 =	vld [tilespmem:s30+$0x12A0]  }
0x6f: {  	v6 =	vld [tilespmem:s30+$0x1210]  }
0x70: {  	v7 =	vld [tilespmem:s30+$0x12B0]  }
0x71: {  	v8 =	vld [tilespmem:s30+$0x1220]  }
0x72: {  	v9 =	vld [tilespmem:s30+$0x12C0]  }
0x73: {  	v59 =	vld [tilespmem:s30+$0x12D0];
	v4 =	vsub.f32 v4, v5  }
0x74: {  	s0 =	sadd.s32 s5, s30;
	v5 =	vld [tilespmem:s30+$0x1230]  }
0x75: {  	s18 =	sadd.s32 s30, s7;
	v10 =	vmov s0;
	v6 =	vsub.f32 v6, v7;
	v4 =	vmul.f32 v4, v4  }
0x76: {  	v60 =	vmov s18;
	vm2 =	vlt.u32 v10, v0  }
0x77: {  	s19 =	sadd.s32 s30, s8;
	v8 =	vsub.f32 v8, v9;
	v6 =	vmul.f32 v6, v6;
	v4 =	vnsel vm2, $0x0, v4  }
0x78: {  	v61 =	vmov s19;
	vm2 =	vlt.u32 v60, v0;
	v3 =	vadd.f32 v4, v3  }
0x79: {  	p1 =	por p0, p0;
	v62 =	vmul.f32 v8, v8;
	v4 =	vnsel vm2, $0x0, v6;
	v5 =	vsub.f32 v5, v59  }
.Ltmp2:
0x7a: {  	s31 =	sadd.s32 s30, s9;
	vm2 =	vlt.u32 v61, v0;
	v3 =	vadd.f32 v4, v3;
	(pc) =	sbr.rel @p1 .LBB2_6-.Ltmp2, $4  }
0x7b: {  	v63 =	vmov s31;
	v4 =	vnsel vm2, $0x0, v62;
	v5 =	vmul.f32 v5, v5  }
0x7c: {  	vm2 =	vlt.u32 v63, v0;
	v3 =	vadd.f32 v4, v3  }
0x7d: {  	v4 =	vnsel vm2, $0x0, v5  }
0x7e: {  	p0 =	por $0x0, $0x0;
	s30 =	simm.s32 $0x40;
	v3 =	vadd.f32 v4, v3  }
0x7f: {  	v4 =	vld [tilespmem:$0x1280]  }
0x80: {  	v6 =	vld [tilespmem:$0x1320]  }
0x81: {  	v5 =	vld [tilespmem:$0x1290]  }
0x82: {  	s0 =	simm.s32 $0x0;
	p0 =	por $0x1, $0x1;
	v8 =	vimm.f32 $0.0e+00;
	v7 =	vld [tilespmem:$0x1330]  }
.LBB2_8:
0x83: {  	v9 =	vld [tilespmem:s0+$0x1880]  }
0x84: {  	v10 =	vld [tilespmem:s0+$0x1920]  }
0x85: {  	v11 =	vld [tilespmem:s0+$0x1890]  }
0x86: {  	v12 =	vld [tilespmem:s0+$0x1930]  }
0x87: {  	v13 =	vld [tilespmem:s0+$0x18A0]  }
0x88: {  	v14 =	vld [tilespmem:s0+$0x1940];
	_ =	sdelay $0x1  }
0x89: {  	v61 =	vld [tilespmem:s0+$0x1950];
	v9 =	vsub.f32 v9, v10  }
0x8a: {  	s2 =	sadd.s32 s5, s0;
	v10 =	vld [tilespmem:s0+$0x18B0]  }
0x8b: {  	v15 =	vmov s2;
	v11 =	vsub.f32 v11, v12;
	v9 =	vmul.f32 v9, v9  }
0x8c: {  	s19 =	sadd.s32 s0, s7;
	vm2 =	vlt.u32 v15, v0;
	v13 =	vsub.f32 v13, v14  }
0x8d: {  	v62 =	vmov s19;
	v11 =	vmul.f32 v11, v11;
	v9 =	vnsel vm2, $0x0, v9  }
0x8e: {  	s30 =	sadd.s32 s0, s8;
	v63 =	vmul.f32 v13, v13;
	vm2 =	vlt.u32 v62, v0;
	v8 =	vadd.f32 v9, v8  }
0x8f: {  	p1 =	por p0, p0;
	v9 =	vnsel vm2, $0x0, v11;
	v10 =	vsub.f32 v10, v61;
	v11 =	vmov s30  }
.Ltmp3:
0x90: {  	s31 =	sadd.s32 s0, s9;
	vm2 =	vlt.u32 v11, v0;
	v8 =	vadd.f32 v9, v8;
	(pc) =	sbr.rel @p1 .LBB2_8-.Ltmp3, $4  }
0x91: {  	v11 =	vmov s31;
	v9 =	vnsel vm2, $0x0, v63;
	v10 =	vmul.f32 v10, v10  }
0x92: {  	vm2 =	vlt.u32 v11, v0;
	v8 =	vadd.f32 v9, v8  }
0x93: {  	v9 =	vnsel vm2, $0x0, v10  }
0x94: {  	p0 =	por $0x0, $0x0;
	s0 =	simm.s32 $0x40;
	v8 =	vadd.f32 v9, v8  }
0x95: {  	v9 =	vld [tilespmem:$0x1900]  }
0x96: {  	v10 =	vld [tilespmem:$0x19A0]  }
0x97: {  	v11 =	vld [tilespmem:$0x1910]  }
0x98: {  	v12 =	vld [tilespmem:$0x19B0];
	_ =	sdelay $0x2  }
0x99: {  	v4 =	vsub.f32 v4, v6;
	v59 =	vsub.f32 v9, v10  }
0x9a: {  	v5 =	vsub.f32 v5, v7  }
0x9b: {  	v4 =	vmul.f32 v4, v4;
	v60 =	vsub.f32 v11, v12;
	v6 =	vmul.f32 v59, v59  }
0x9c: {  	v5 =	vmul.f32 v5, v5  }
0x9d: {  	v4 =	vnsel vm1, $0x0, v4;
	v62 =	vmul.f32 v60, v60;
	v61 =	vnsel vm1, $0x0, v6  }
0x9e: {  	v3 =	vadd.f32 v4, v3;
	v4 =	vadd.f32 v61, v8  }
0x9f: {  	v1 =	vadd.f32 v2, v1;
	v5 =	vnsel vm0, $0x0, v5;
	v63 =	vnsel vm0, $0x0, v62  }
0xa0: {  	v3 =	vadd.f32 v5, v3;
	v4 =	vadd.f32 v63, v4;
	_ =	sdelay $0x1  }
0xa1: {  	v1 =	vadd.f32 v1, v1;
	v2 =	vadd.f32 v4, v3;
	_ =	sdelay $0x1  }
0xa2: {  	s29 =	sadd.s32 $0x1, s29;
	v1 =	vadd.f32 v2, v1  }
0xa3: {  	p0 =	sne.s32 s29, s11  }
.Ltmp4:
0xa4: {  	[tilespmem:$0x1A00] =	vst v1;
	(pc) =	sbr.rel @p0 .LBB2_1-.Ltmp4, $4  }
0xa5: {  	[hbm4b:s10+s4] =	stream.linear.scatter [tilespmem:s26], [sflag:$0x2], $0x80, $0x38;
	[tilespmem:$0x1A80] =	vst v63  }
0xa6: {  	_ =	swait.ge [sflag:s28], $0x80  }
0xa7: {  	[sflag:s28] =	ssyncset.done $0x0  }
0xa8: {  	[sflag:s28] =	ssyncadd.s32 $0xFFFFFF80  }
0xa9: {  	_ =	sfence.sel $0x180000  }
0xaa: {  	[bflag:$0x0] =	sbarrier.arrive $0xFFFF  }
0xab: {  	_ =	strace $0x90000047  }
0xac: {  	s0 =	stileid.u32;
	[bflag:$0x2] =	sbarrier.arrive $0xFFFF  }
0xad: {  	p0 =	sne.s32 s0, $0x0;
	s0 =	rddreg [dreg:$0x3]  }
0xae: {  	s0 =	sadd.s32 @!p0 $0x100000, s0  }
0xaf: {  	[sflag:s0] =	ssyncadd.tile.s32 @!p0 $0x1;
	_ =	shalt  }
.Lfunc_end2:
_tile_overlayer_lowered:
.L_overlay_start_2:
0xb0: {  	(tag) =	ssettag $0x2  }
0xb1: {  	s0 =	rddreg [dreg:$0x0];
	s2 =	stileid.u32  }
0xb2: {  	s1 =	rddreg [dreg:$0x1];
	p0 =	sne.s32 s2, $0x0  }
0xb3: {  	s3 =	rddreg [dreg:$0x2];
	[bflag:$0x3] =	sbarrier.arrive $0xFFFF;
	s2 =	simm.s32 @!p0 $0x1C02  }
0xb4: {  	[timem:s3], [sflag:s2] =	dma.local @!p0 [hbm:s0], s1  }
0xb5: {  	s0 =	simm.s32 @!p0 $0x2  }
0xb6: {  	_ =	swait.ge @!p0 [sflag:s0], s1  }
0xb7: {  	s1 =	ssub.s32 @!p0 $0x0, s1;
	[sflag:s0] =	ssyncset.done @!p0 $0x0  }
0xb8: {  	[sflag:s0] =	ssyncadd.s32 @!p0 s1  }
0xb9: {  	[bflag:$0x3] =	sbarrier.arrive $0xFFFF  }
0xba: {  	_ =	shalt  }

</sc_bundles>
